<compile_context>
chip_gen: v7x
topology: tpu7x:2x2x1
jax: 0.10.2.dev20260603
libtpu: 0.0.44.dev20260713+nightly
codegen_flags: <defaults>
</compile_context>

<pallas_src>
import jax
import jax.numpy as jnp
from jax import lax
from jax.experimental import pallas as pl
from jax.experimental.pallas import tpu as pltpu
from jax.experimental.pallas import tpu_sc as plsc

B, C, H = 32, 3, 64
P = H * H
S = 64
D = C * P

TJ = 256
TK = 12288
NJ = D // TJ
NK = D // TK

L = 16
NCHUNK = P // L


def _gemm_body(flat_ref, w_ref, bias_ref, out_ref):
    k = pl.program_id(1)

    @pl.when(k == 0)
    def _init():
        out_ref[...] = jnp.broadcast_to(bias_ref[...], out_ref.shape)

    out_ref[...] += lax.dot_general(
        flat_ref[...].astype(jnp.bfloat16), w_ref[...].astype(jnp.bfloat16),
        dimension_numbers=(((1,), (1,)), ((), ())),
        preferred_element_type=jnp.float32)


def _gemm(flat, W, bias2d):
    return pl.pallas_call(
        _gemm_body,
        grid=(NJ, NK),
        in_specs=[
            pl.BlockSpec((B, TK), lambda j, k: (0, k)),
            pl.BlockSpec((TJ, TK), lambda j, k: (j, k)),
            pl.BlockSpec((1, TJ), lambda j, k: (0, j)),
        ],
        out_specs=pl.BlockSpec((B, TJ), lambda j, k: (0, j)),
        out_shape=jax.ShapeDtypeStruct((B, D), jnp.float32),
    )(flat, W, bias2d)


def _sc_seg_body(x_hbm, seg_hbm, out_hbm, sem, seg_v, x_v, acc_v, out_v):
    wid = lax.axis_index("s") * 2 + lax.axis_index("c")

    xcp = pltpu.async_copy(x_hbm.at[wid], x_v, sem)
    pltpu.sync_copy(seg_hbm.at[wid], seg_v)

    lane = lax.iota(jnp.int32, L)
    zeros = jnp.zeros((L,), jnp.float32)
    ones = jnp.ones((L,), jnp.float32)

    def _zero(i, _):
        for u in range(8):
            acc_v[pl.ds((i * 8 + u) * L, L)] = zeros
        return 0
    lax.fori_loop(0, (C + 1) * S // 8, _zero, 0)
    xcp.wait()

    def _scatter(i, _):
        for u in range(8):
            idx = seg_v[pl.ds((i * 8 + u) * L, L)]
            base = lane * S + idx
            for c in range(C):
                val = x_v[c, pl.ds((i * 8 + u) * L, L)]
                plsc.addupdate_scatter(acc_v, [base + (c * L * S)], val)
            plsc.addupdate_scatter(acc_v, [base + (C * L * S)], ones)
        return 0
    lax.fori_loop(0, NCHUNK // 8, _scatter, 0)

    for j in range(S // L):
        cnt = zeros
        for l in range(L):
            cnt = cnt + acc_v[pl.ds((C * L + l) * S + j * L, L)]
        inv = 1.0 / jnp.maximum(cnt, 1.0)
        s_idx = j * L + lane
        for c in range(C):
            tot = zeros
            for l in range(L):
                tot = tot + acc_v[pl.ds((c * L + l) * S + j * L, L)]
            plsc.store_scatter(
                out_v, [s_idx, jnp.full((L,), c, jnp.int32)], tot * inv)

    pltpu.sync_copy(out_v, out_hbm.at[wid])


def _sc_seg_mean(x3, seg_map):
    mesh = plsc.VectorSubcoreMesh(core_axis_name="c", subcore_axis_name="s")
    f = pl.kernel(
        _sc_seg_body,
        mesh=mesh,
        out_type=jax.ShapeDtypeStruct((B, S, C), jnp.float32),
        scratch_types=[
            pltpu.SemaphoreType.DMA,
            pltpu.VMEM((P,), jnp.int32),
            pltpu.VMEM((C, P), jnp.float32),
            pltpu.VMEM(((C + 1) * L * S,), jnp.float32),
            pltpu.VMEM((S, C), jnp.float32),
        ],
        compiler_params=pltpu.CompilerParams(needs_layout_passes=False),
    )
    return f(x3, seg_map)


def kernel(X, seg_map, W, b):
    flat = X.reshape(B, D)
    x_emb = _gemm(flat, W, b.reshape(1, D))
    return _sc_seg_mean(x_emb.reshape(B, C, P), seg_map)

# --- scband reference (transcript-rebuilt; emitter-appended) ---
"""Pipeline reference for scband-super-pixel-mean-embed-61813169324342 (READ-ONLY COPY).

The authoritative reference and input builder live on the scoring server;
editing this copy changes nothing except your own understanding.
"""

import jax, jax.numpy as jnp
import numpy as np

B, C, H = 32, 3, 64
S = 64  # superpixels
D = C * H * H  # 12288


def setup_inputs(seed: int = 0) -> dict:
    key = jax.random.key(seed)
    k1, k2, k3 = jax.random.split(key, 3)
    X = jax.random.normal(k1, (B, C, H, H), dtype=jnp.float32)
    # per-pixel superpixel label (stands in for the SLIC segment map)
    seg_map = jax.random.randint(k2, (B, H * H), 0, S).astype(jnp.int32)
    # lin_proj: Linear(C*img^2, C*img^2)
    W = jax.random.normal(k3, (D, D), dtype=jnp.float32) * (1.0 / np.sqrt(D))
    b = jnp.zeros((D,), dtype=jnp.float32)
    return {"X": X, "seg_map": seg_map, "W": W, "b": b}


def reference(X, seg_map, W, b):
    # reshape -> full linear projection over the flattened image -> reshape back
    bsz = X.shape[0]
    flat = X.reshape(bsz, D)
    x_emb = flat @ W.T + b
    x_emb = x_emb.reshape(bsz, C, H * H)  # [B, C, P]

    def per_image(x, seg):
        # x: [C, P], seg: [P]; mean of each channel over every superpixel
        sums = jax.ops.segment_sum(x.T, seg, num_segments=S)  # [S, C]
        counts = jax.ops.segment_sum(jnp.ones((x.shape[1],), jnp.float32), seg, num_segments=S)
        return sums / jnp.maximum(counts, 1.0)[:, None]

    batch_sps = jax.vmap(per_image)(x_emb, seg_map)  # [B, S, C]
    # norm_layer is None -> Identity
    return batch_sps

if __name__ == "__main__":
    import jax
    _d = setup_inputs()
    print(jax.jit(kernel)(*tuple(_d.values())))

</pallas_src>

<mosaic_0001>
#map = affine_map<(d0, d1) -> (0, 0, 0)>
#map1 = affine_map<(d0, d1) -> (0, 0)>
module attributes {stable_mosaic.version = 14 : i64} {
  func.func @_sc_seg_body(%arg0: i32, %arg1: i32, %arg2: memref<32x3x4096xf32, #tpu.memory_space<hbm>>, %arg3: memref<32x4096xi32, #tpu.memory_space<hbm>>, %arg4: memref<32x64x3xf32, #tpu.memory_space<hbm>>, %arg5: memref<!tpu.dma_semaphore, #tpu.memory_space<semaphore_mem>>, %arg6: memref<4096xi32, #tpu.memory_space<vmem>>, %arg7: memref<3x4096xf32, #tpu.memory_space<vmem>>, %arg8: memref<4096xf32, #tpu.memory_space<vmem>>, %arg9: memref<64x3xf32, #tpu.memory_space<vmem>>) attributes {dimension_semantics = [#tpu.dimension_semantics<core_parallel>, #tpu.dimension_semantics<subcore_parallel>], iteration_bounds = array<i64: 2, 16>, scalar_prefetch = 0 : i64, scratch_operands = 5 : i64, tpu.core_type = #tpu.core_type<sc_vector_subcore>, window_params = [{transform_indices = #map}, {transform_indices = #map1}, {transform_indices = #map}]} {
    %mul3A = arith.constant 2 : i32
    %mul3A_0 = arith.muli %arg1, %mul3A : i32
    %add3A = arith.addi %mul3A_0, %arg0 : i32
    %dma_start3A = arith.constant 0 : i32
    %dma_start3A_1 = arith.constant 0 : i32
    %dma_start3A_2 = tpu.memref_slice %arg2[%add3A, %dma_start3A, %dma_start3A_1] : memref<32x3x4096xf32, #tpu.memory_space<hbm>> -> memref<1x3x4096xf32, #tpu.memory_space<hbm>>
    %dma_start3A_3 = tpu.memref_squeeze %dma_start3A_2 : memref<1x3x4096xf32, #tpu.memory_space<hbm>> -> memref<3x4096xf32, #tpu.memory_space<hbm>>
    %dma_start3A_4 = arith.constant 0 : i32
    %dma_start3A_5 = arith.constant 0 : i32
    %dma_start3A_6 = tpu.memref_slice %arg2[%add3A, %dma_start3A_4, %dma_start3A_5] : memref<32x3x4096xf32, #tpu.memory_space<hbm>> -> memref<1x3x4096xf32, #tpu.memory_space<hbm>>
    %dma_start3A_7 = tpu.memref_squeeze %dma_start3A_6 : memref<1x3x4096xf32, #tpu.memory_space<hbm>> -> memref<3x4096xf32, #tpu.memory_space<hbm>>
    tpu.enqueue_dma source(%dma_start3A_7 : memref<3x4096xf32, #tpu.memory_space<hbm>>) target(%arg7 : memref<3x4096xf32, #tpu.memory_space<vmem>>) target_semaphore(%arg5 : memref<!tpu.dma_semaphore, #tpu.memory_space<semaphore_mem>>)
    "tpu.region"() ({
      %run_scoped3A = tpu.sem_alloc : memref<!tpu.dma_semaphore, #tpu.memory_space<semaphore_mem>>
      %dma_start3A_868 = arith.constant 0 : i32
      %dma_start3A_869 = tpu.memref_slice %arg3[%add3A, %dma_start3A_868] : memref<32x4096xi32, #tpu.memory_space<hbm>> -> memref<1x4096xi32, #tpu.memory_space<hbm>>
      %dma_start3A_870 = tpu.memref_squeeze %dma_start3A_869 : memref<1x4096xi32, #tpu.memory_space<hbm>> -> memref<4096xi32, #tpu.memory_space<hbm>>
      %dma_start3A_871 = arith.constant 0 : i32
      %dma_start3A_872 = tpu.memref_slice %arg3[%add3A, %dma_start3A_871] : memref<32x4096xi32, #tpu.memory_space<hbm>> -> memref<1x4096xi32, #tpu.memory_space<hbm>>
      %dma_start3A_873 = tpu.memref_squeeze %dma_start3A_872 : memref<1x4096xi32, #tpu.memory_space<hbm>> -> memref<4096xi32, #tpu.memory_space<hbm>>
      tpu.enqueue_dma source(%dma_start3A_873 : memref<4096xi32, #tpu.memory_space<hbm>>) target(%arg6 : memref<4096xi32, #tpu.memory_space<vmem>>) target_semaphore(%run_scoped3A : memref<!tpu.dma_semaphore, #tpu.memory_space<semaphore_mem>>)
      %dma_wait3A_874 = arith.constant 0 : i32
      %dma_wait3A_875 = tpu.memref_slice %arg3[%add3A, %dma_wait3A_874] : memref<32x4096xi32, #tpu.memory_space<hbm>> -> memref<1x4096xi32, #tpu.memory_space<hbm>>
      %dma_wait3A_876 = tpu.memref_squeeze %dma_wait3A_875 : memref<1x4096xi32, #tpu.memory_space<hbm>> -> memref<4096xi32, #tpu.memory_space<hbm>>
      %dma_wait3A_877 = arith.constant 0 : i32
      %dma_wait3A_878 = tpu.memref_slice %arg3[%add3A, %dma_wait3A_877] : memref<32x4096xi32, #tpu.memory_space<hbm>> -> memref<1x4096xi32, #tpu.memory_space<hbm>>
      %dma_wait3A_879 = tpu.memref_squeeze %dma_wait3A_878 : memref<1x4096xi32, #tpu.memory_space<hbm>> -> memref<4096xi32, #tpu.memory_space<hbm>>
      tpu.wait_dma2 semaphore(%run_scoped3A : memref<!tpu.dma_semaphore, #tpu.memory_space<semaphore_mem>>) src(%dma_wait3A_879 : memref<4096xi32, #tpu.memory_space<hbm>>) dst(%arg6 : memref<4096xi32, #tpu.memory_space<vmem>>)
      tpu.yield
    }) : () -> ()
    %iota3A = tpu.iota {dimensions = array<i32: 0>} : vector<16xi32>
    %broadcast_in_dim3A = arith.constant 0.000000e+00 : f32
    %broadcast_in_dim3A_8 = vector.broadcast %broadcast_in_dim3A : f32 to vector<16xf32>
    %broadcast_in_dim3A_9 = arith.constant 1.000000e+00 : f32
    %broadcast_in_dim3A_10 = vector.broadcast %broadcast_in_dim3A_9 : f32 to vector<16xf32>
    %scan3A = arith.constant 0 : i32
    %scan3A_11 = arith.constant 0 : i32
    %scan3A_12 = arith.constant 32 : i32
    %scan3A_13 = arith.addi %scan3A_11, %scan3A_12 : i32
    %scan3A_14 = arith.constant 1 : i32
    %scan3A_15 = scf.for %scan3A_868 = %scan3A_11 to %scan3A_13 step %scan3A_14 iter_args(%scan3A_869 = %scan3A) -> (i32)  : i32 {
      %mul3A_870 = arith.constant 8 : i32
      %mul3A_871 = arith.muli %scan3A_868, %mul3A_870 : i32
      %add3A_872 = arith.constant 0 : i32
      %add3A_873 = arith.addi %mul3A_871, %add3A_872 : i32
      %mul3A_874 = arith.constant 16 : i32
      %mul3A_875 = arith.muli %add3A_873, %mul3A_874 : i32
      %swap3A = arith.index_cast %mul3A_875 : i32 to index
      %swap3A_876 = tpu.vector_load %arg8[%swap3A] {strides = array<i32>} : memref<4096xf32, #tpu.memory_space<vmem>>, vector<16xf32>,
      tpu.vector_store %arg8[%swap3A], %broadcast_in_dim3A_8 {strides = array<i32>} : memref<4096xf32, #tpu.memory_space<vmem>>, vector<16xf32>,
      %mul3A_877 = arith.constant 8 : i32
      %mul3A_878 = arith.muli %scan3A_868, %mul3A_877 : i32
      %add3A_879 = arith.constant 1 : i32
      %add3A_880 = arith.addi %mul3A_878, %add3A_879 : i32
      %mul3A_881 = arith.constant 16 : i32
      %mul3A_882 = arith.muli %add3A_880, %mul3A_881 : i32
      %swap3A_883 = arith.index_cast %mul3A_882 : i32 to index
      %swap3A_884 = tpu.vector_load %arg8[%swap3A_883] {strides = array<i32>} : memref<4096xf32, #tpu.memory_space<vmem>>, vector<16xf32>,
      tpu.vector_store %arg8[%swap3A_883], %broadcast_in_dim3A_8 {strides = array<i32>} : memref<4096xf32, #tpu.memory_space<vmem>>, vector<16xf32>,
      %mul3A_885 = arith.constant 8 : i32
      %mul3A_886 = arith.muli %scan3A_868, %mul3A_885 : i32
      %add3A_887 = arith.constant 2 : i32
      %add3A_888 = arith.addi %mul3A_886, %add3A_887 : i32
      %mul3A_889 = arith.constant 16 : i32
      %mul3A_890 = arith.muli %add3A_888, %mul3A_889 : i32
      %swap3A_891 = arith.index_cast %mul3A_890 : i32 to index
      %swap3A_892 = tpu.vector_load %arg8[%swap3A_891] {strides = array<i32>} : memref<4096xf32, #tpu.memory_space<vmem>>, vector<16xf32>,
      tpu.vector_store %arg8[%swap3A_891], %broadcast_in_dim3A_8 {strides = array<i32>} : memref<4096xf32, #tpu.memory_space<vmem>>, vector<16xf32>,
      %mul3A_893 = arith.constant 8 : i32
      %mul3A_894 = arith.muli %scan3A_868, %mul3A_893 : i32
      %add3A_895 = arith.constant 3 : i32
      %add3A_896 = arith.addi %mul3A_894, %add3A_895 : i32
      %mul3A_897 = arith.constant 16 : i32
      %mul3A_898 = arith.muli %add3A_896, %mul3A_897 : i32
      %swap3A_899 = arith.index_cast %mul3A_898 : i32 to index
      %swap3A_900 = tpu.vector_load %arg8[%swap3A_899] {strides = array<i32>} : memref<4096xf32, #tpu.memory_space<vmem>>, vector<16xf32>,
      tpu.vector_store %arg8[%swap3A_899], %broadcast_in_dim3A_8 {strides = array<i32>} : memref<4096xf32, #tpu.memory_space<vmem>>, vector<16xf32>,
      %mul3A_901 = arith.constant 8 : i32
      %mul3A_902 = arith.muli %scan3A_868, %mul3A_901 : i32
      %add3A_903 = arith.constant 4 : i32
      %add3A_904 = arith.addi %mul3A_902, %add3A_903 : i32
      %mul3A_905 = arith.constant 16 : i32
      %mul3A_906 = arith.muli %add3A_904, %mul3A_905 : i32
      %swap3A_907 = arith.index_cast %mul3A_906 : i32 to index
      %swap3A_908 = tpu.vector_load %arg8[%swap3A_907] {strides = array<i32>} : memref<4096xf32, #tpu.memory_space<vmem>>, vector<16xf32>,
      tpu.vector_store %arg8[%swap3A_907], %broadcast_in_dim3A_8 {strides = array<i32>} : memref<4096xf32, #tpu.memory_space<vmem>>, vector<16xf32>,
      %mul3A_909 = arith.constant 8 : i32
      %mul3A_910 = arith.muli %scan3A_868, %mul3A_909 : i32
      %add3A_911 = arith.constant 5 : i32
      %add3A_912 = arith.addi %mul3A_910, %add3A_911 : i32
      %mul3A_913 = arith.constant 16 : i32
      %mul3A_914 = arith.muli %add3A_912, %mul3A_913 : i32
      %swap3A_915 = arith.index_cast %mul3A_914 : i32 to index
      %swap3A_916 = tpu.vector_load %arg8[%swap3A_915] {strides = array<i32>} : memref<4096xf32, #tpu.memory_space<vmem>>, vector<16xf32>,
      tpu.vector_store %arg8[%swap3A_915], %broadcast_in_dim3A_8 {strides = array<i32>} : memref<4096xf32, #tpu.memory_space<vmem>>, vector<16xf32>,
      %mul3A_917 = arith.constant 8 : i32
      %mul3A_918 = arith.muli %scan3A_868, %mul3A_917 : i32
      %add3A_919 = arith.constant 6 : i32
      %add3A_920 = arith.addi %mul3A_918, %add3A_919 : i32
      %mul3A_921 = arith.constant 16 : i32
      %mul3A_922 = arith.muli %add3A_920, %mul3A_921 : i32
      %swap3A_923 = arith.index_cast %mul3A_922 : i32 to index
      %swap3A_924 = tpu.vector_load %arg8[%swap3A_923] {strides = array<i32>} : memref<4096xf32, #tpu.memory_space<vmem>>, vector<16xf32>,
      tpu.vector_store %arg8[%swap3A_923], %broadcast_in_dim3A_8 {strides = array<i32>} : memref<4096xf32, #tpu.memory_space<vmem>>, vector<16xf32>,
      %mul3A_925 = arith.constant 8 : i32
      %mul3A_926 = arith.muli %scan3A_868, %mul3A_925 : i32
      %add3A_927 = arith.constant 7 : i32
      %add3A_928 = arith.addi %mul3A_926, %add3A_927 : i32
      %mul3A_929 = arith.constant 16 : i32
      %mul3A_930 = arith.muli %add3A_928, %mul3A_929 : i32
      %swap3A_931 = arith.index_cast %mul3A_930 : i32 to index
      %swap3A_932 = tpu.vector_load %arg8[%swap3A_931] {strides = array<i32>} : memref<4096xf32, #tpu.memory_space<vmem>>, vector<16xf32>,
      tpu.vector_store %arg8[%swap3A_931], %broadcast_in_dim3A_8 {strides = array<i32>} : memref<4096xf32, #tpu.memory_space<vmem>>, vector<16xf32>,
      %scan3A_933 = arith.constant 0 : i32
      scf.yield %scan3A_933 : i32
    }
    %scan3A_16 = arith.constant 32 : i32
    %dma_wait3A = arith.constant 0 : i32
    %dma_wait3A_17 = arith.constant 0 : i32
    %dma_wait3A_18 = tpu.memref_slice %arg2[%add3A, %dma_wait3A, %dma_wait3A_17] : memref<32x3x4096xf32, #tpu.memory_space<hbm>> -> memref<1x3x4096xf32, #tpu.memory_space<hbm>>
    %dma_wait3A_19 = tpu.memref_squeeze %dma_wait3A_18 : memref<1x3x4096xf32, #tpu.memory_space<hbm>> -> memref<3x4096xf32, #tpu.memory_space<hbm>>
    %dma_wait3A_20 = arith.constant 0 : i32
    %dma_wait3A_21 = arith.constant 0 : i32
    %dma_wait3A_22 = tpu.memref_slice %arg2[%add3A, %dma_wait3A_20, %dma_wait3A_21] : memref<32x3x4096xf32, #tpu.memory_space<hbm>> -> memref<1x3x4096xf32, #tpu.memory_space<hbm>>
    %dma_wait3A_23 = tpu.memref_squeeze %dma_wait3A_22 : memref<1x3x4096xf32, #tpu.memory_space<hbm>> -> memref<3x4096xf32, #tpu.memory_space<hbm>>
    tpu.wait_dma2 semaphore(%arg5 : memref<!tpu.dma_semaphore, #tpu.memory_space<semaphore_mem>>) src(%dma_wait3A_23 : memref<3x4096xf32, #tpu.memory_space<hbm>>) dst(%arg7 : memref<3x4096xf32, #tpu.memory_space<vmem>>)
    %scan3A_24 = arith.constant 0 : i32
    %scan3A_25 = arith.constant 0 : i32
    %scan3A_26 = arith.constant 32 : i32
    %scan3A_27 = arith.addi %scan3A_25, %scan3A_26 : i32
    %scan3A_28 = arith.constant 1 : i32
    %scan3A_29 = scf.for %scan3A_868 = %scan3A_25 to %scan3A_27 step %scan3A_28 iter_args(%scan3A_869 = %scan3A_24) -> (i32)  : i32 {
      %mul3A_870 = arith.constant 8 : i32
      %mul3A_871 = arith.muli %scan3A_868, %mul3A_870 : i32
      %add3A_872 = arith.constant 0 : i32
      %add3A_873 = arith.addi %mul3A_871, %add3A_872 : i32
      %mul3A_874 = arith.constant 16 : i32
      %mul3A_875 = arith.muli %add3A_873, %mul3A_874 : i32
      %get3A_876 = arith.index_cast %mul3A_875 : i32 to index
      %get3A_877 = tpu.vector_load %arg6[%get3A_876] {strides = array<i32>} : memref<4096xi32, #tpu.memory_space<vmem>>, vector<16xi32>,
      %mul3A_878 = arith.constant 64 : i32
      %mul3A_879 = vector.broadcast %mul3A_878 : i32 to vector<16xi32>
      %mul3A_880 = arith.muli %iota3A, %mul3A_879 : vector<16xi32>
      %add3A_881 = arith.addi %mul3A_880, %get3A_877 : vector<16xi32>
      %mul3A_882 = arith.constant 8 : i32
      %mul3A_883 = arith.muli %scan3A_868, %mul3A_882 : i32
      %add3A_884 = arith.constant 0 : i32
      %add3A_885 = arith.addi %mul3A_883, %add3A_884 : i32
      %mul3A_886 = arith.constant 16 : i32
      %mul3A_887 = arith.muli %add3A_885, %mul3A_886 : i32
      %get3A_888 = arith.constant 0 : i32
      %get3A_889 = arith.index_cast %get3A_888 : i32 to index
      %get3A_890 = arith.index_cast %mul3A_887 : i32 to index
      %get3A_891 = tpu.vector_load %arg7[%get3A_889, %get3A_890] {strides = array<i32>} : memref<3x4096xf32, #tpu.memory_space<vmem>>, vector<16xf32>,
      %add3A_892 = arith.constant 0 : i32
      %add3A_893 = vector.broadcast %add3A_892 : i32 to vector<16xi32>
      %add3A_894 = arith.addi %add3A_881, %add3A_893 : vector<16xi32>
      tpu.vector_store_idx %arg8[%add3A_894], %get3A_891 {add = true} : memref<4096xf32, #tpu.memory_space<vmem>>[vector<16xi32>], vector<16xf32>,
      %mul3A_895 = arith.constant 8 : i32
      %mul3A_896 = arith.muli %scan3A_868, %mul3A_895 : i32
      %add3A_897 = arith.constant 0 : i32
      %add3A_898 = arith.addi %mul3A_896, %add3A_897 : i32
      %mul3A_899 = arith.constant 16 : i32
      %mul3A_900 = arith.muli %add3A_898, %mul3A_899 : i32
      %get3A_901 = arith.constant 1 : i32
      %get3A_902 = arith.index_cast %get3A_901 : i32 to index
      %get3A_903 = arith.index_cast %mul3A_900 : i32 to index
      %get3A_904 = tpu.vector_load %arg7[%get3A_902, %get3A_903] {strides = array<i32>} : memref<3x4096xf32, #tpu.memory_space<vmem>>, vector<16xf32>,
      %add3A_905 = arith.constant 1024 : i32
      %add3A_906 = vector.broadcast %add3A_905 : i32 to vector<16xi32>
      %add3A_907 = arith.addi %add3A_881, %add3A_906 : vector<16xi32>
      tpu.vector_store_idx %arg8[%add3A_907], %get3A_904 {add = true} : memref<4096xf32, #tpu.memory_space<vmem>>[vector<16xi32>], vector<16xf32>,
      %mul3A_908 = arith.constant 8 : i32
      %mul3A_909 = arith.muli %scan3A_868, %mul3A_908 : i32
      %add3A_910 = arith.constant 0 : i32
      %add3A_911 = arith.addi %mul3A_909, %add3A_910 : i32
      %mul3A_912 = arith.constant 16 : i32
      %mul3A_913 = arith.muli %add3A_911, %mul3A_912 : i32
      %get3A_914 = arith.constant 2 : i32
      %get3A_915 = arith.index_cast %get3A_914 : i32 to index
      %get3A_916 = arith.index_cast %mul3A_913 : i32 to index
      %get3A_917 = tpu.vector_load %arg7[%get3A_915, %get3A_916] {strides = array<i32>} : memref<3x4096xf32, #tpu.memory_space<vmem>>, vector<16xf32>,
      %add3A_918 = arith.constant 2048 : i32
      %add3A_919 = vector.broadcast %add3A_918 : i32 to vector<16xi32>
      %add3A_920 = arith.addi %add3A_881, %add3A_919 : vector<16xi32>
      tpu.vector_store_idx %arg8[%add3A_920], %get3A_917 {add = true} : memref<4096xf32, #tpu.memory_space<vmem>>[vector<16xi32>], vector<16xf32>,
      %add3A_921 = arith.constant 3072 : i32
      %add3A_922 = vector.broadcast %add3A_921 : i32 to vector<16xi32>
      %add3A_923 = arith.addi %add3A_881, %add3A_922 : vector<16xi32>
      tpu.vector_store_idx %arg8[%add3A_923], %broadcast_in_dim3A_10 {add = true} : memref<4096xf32, #tpu.memory_space<vmem>>[vector<16xi32>], vector<16xf32>,
      %mul3A_924 = arith.constant 8 : i32
      %mul3A_925 = arith.muli %scan3A_868, %mul3A_924 : i32
      %add3A_926 = arith.constant 1 : i32
      %add3A_927 = arith.addi %mul3A_925, %add3A_926 : i32
      %mul3A_928 = arith.constant 16 : i32
      %mul3A_929 = arith.muli %add3A_927, %mul3A_928 : i32
      %get3A_930 = arith.index_cast %mul3A_929 : i32 to index
      %get3A_931 = tpu.vector_load %arg6[%get3A_930] {strides = array<i32>} : memref<4096xi32, #tpu.memory_space<vmem>>, vector<16xi32>,
      %mul3A_932 = arith.constant 64 : i32
      %mul3A_933 = vector.broadcast %mul3A_932 : i32 to vector<16xi32>
      %mul3A_934 = arith.muli %iota3A, %mul3A_933 : vector<16xi32>
      %add3A_935 = arith.addi %mul3A_934, %get3A_931 : vector<16xi32>
      %mul3A_936 = arith.constant 8 : i32
      %mul3A_937 = arith.muli %scan3A_868, %mul3A_936 : i32
      %add3A_938 = arith.constant 1 : i32
      %add3A_939 = arith.addi %mul3A_937, %add3A_938 : i32
      %mul3A_940 = arith.constant 16 : i32
      %mul3A_941 = arith.muli %add3A_939, %mul3A_940 : i32
      %get3A_942 = arith.constant 0 : i32
      %get3A_943 = arith.index_cast %get3A_942 : i32 to index
      %get3A_944 = arith.index_cast %mul3A_941 : i32 to index
      %get3A_945 = tpu.vector_load %arg7[%get3A_943, %get3A_944] {strides = array<i32>} : memref<3x4096xf32, #tpu.memory_space<vmem>>, vector<16xf32>,
      %add3A_946 = arith.constant 0 : i32
      %add3A_947 = vector.broadcast %add3A_946 : i32 to vector<16xi32>
      %add3A_948 = arith.addi %add3A_935, %add3A_947 : vector<16xi32>
      tpu.vector_store_idx %arg8[%add3A_948], %get3A_945 {add = true} : memref<4096xf32, #tpu.memory_space<vmem>>[vector<16xi32>], vector<16xf32>,
      %mul3A_949 = arith.constant 8 : i32
      %mul3A_950 = arith.muli %scan3A_868, %mul3A_949 : i32
      %add3A_951 = arith.constant 1 : i32
      %add3A_952 = arith.addi %mul3A_950, %add3A_951 : i32
      %mul3A_953 = arith.constant 16 : i32
      %mul3A_954 = arith.muli %add3A_952, %mul3A_953 : i32
      %get3A_955 = arith.constant 1 : i32
      %get3A_956 = arith.index_cast %get3A_955 : i32 to index
      %get3A_957 = arith.index_cast %mul3A_954 : i32 to index
      %get3A_958 = tpu.vector_load %arg7[%get3A_956, %get3A_957] {strides = array<i32>} : memref<3x4096xf32, #tpu.memory_space<vmem>>, vector<16xf32>,
      %add3A_959 = arith.constant 1024 : i32
      %add3A_960 = vector.broadcast %add3A_959 : i32 to vector<16xi32>
      %add3A_961 = arith.addi %add3A_935, %add3A_960 : vector<16xi32>
      tpu.vector_store_idx %arg8[%add3A_961], %get3A_958 {add = true} : memref<4096xf32, #tpu.memory_space<vmem>>[vector<16xi32>], vector<16xf32>,
      %mul3A_962 = arith.constant 8 : i32
      %mul3A_963 = arith.muli %scan3A_868, %mul3A_962 : i32
      %add3A_964 = arith.constant 1 : i32
      %add3A_965 = arith.addi %mul3A_963, %add3A_964 : i32
      %mul3A_966 = arith.constant 16 : i32
      %mul3A_967 = arith.muli %add3A_965, %mul3A_966 : i32
      %get3A_968 = arith.constant 2 : i32
      %get3A_969 = arith.index_cast %get3A_968 : i32 to index
      %get3A_970 = arith.index_cast %mul3A_967 : i32 to index
      %get3A_971 = tpu.vector_load %arg7[%get3A_969, %get3A_970] {strides = array<i32>} : memref<3x4096xf32, #tpu.memory_space<vmem>>, vector<16xf32>,
      %add3A_972 = arith.constant 2048 : i32
      %add3A_973 = vector.broadcast %add3A_972 : i32 to vector<16xi32>
      %add3A_974 = arith.addi %add3A_935, %add3A_973 : vector<16xi32>
      tpu.vector_store_idx %arg8[%add3A_974], %get3A_971 {add = true} : memref<4096xf32, #tpu.memory_space<vmem>>[vector<16xi32>], vector<16xf32>,
      %add3A_975 = arith.constant 3072 : i32
      %add3A_976 = vector.broadcast %add3A_975 : i32 to vector<16xi32>
      %add3A_977 = arith.addi %add3A_935, %add3A_976 : vector<16xi32>
      tpu.vector_store_idx %arg8[%add3A_977], %broadcast_in_dim3A_10 {add = true} : memref<4096xf32, #tpu.memory_space<vmem>>[vector<16xi32>], vector<16xf32>,
      %mul3A_978 = arith.constant 8 : i32
      %mul3A_979 = arith.muli %scan3A_868, %mul3A_978 : i32
      %add3A_980 = arith.constant 2 : i32
      %add3A_981 = arith.addi %mul3A_979, %add3A_980 : i32
      %mul3A_982 = arith.constant 16 : i32
      %mul3A_983 = arith.muli %add3A_981, %mul3A_982 : i32
      %get3A_984 = arith.index_cast %mul3A_983 : i32 to index
      %get3A_985 = tpu.vector_load %arg6[%get3A_984] {strides = array<i32>} : memref<4096xi32, #tpu.memory_space<vmem>>, vector<16xi32>,
      %mul3A_986 = arith.constant 64 : i32
      %mul3A_987 = vector.broadcast %mul3A_986 : i32 to vector<16xi32>
      %mul3A_988 = arith.muli %iota3A, %mul3A_987 : vector<16xi32>
      %add3A_989 = arith.addi %mul3A_988, %get3A_985 : vector<16xi32>
      %mul3A_990 = arith.constant 8 : i32
      %mul3A_991 = arith.muli %scan3A_868, %mul3A_990 : i32
      %add3A_992 = arith.constant 2 : i32
      %add3A_993 = arith.addi %mul3A_991, %add3A_992 : i32
      %mul3A_994 = arith.constant 16 : i32
      %mul3A_995 = arith.muli %add3A_993, %mul3A_994 : i32
      %get3A_996 = arith.constant 0 : i32
      %get3A_997 = arith.index_cast %get3A_996 : i32 to index
      %get3A_998 = arith.index_cast %mul3A_995 : i32 to index
      %get3A_999 = tpu.vector_load %arg7[%get3A_997, %get3A_998] {strides = array<i32>} : memref<3x4096xf32, #tpu.memory_space<vmem>>, vector<16xf32>,
      %add3A_1000 = arith.constant 0 : i32
      %add3A_1001 = vector.broadcast %add3A_1000 : i32 to vector<16xi32>
      %add3A_1002 = arith.addi %add3A_989, %add3A_1001 : vector<16xi32>
      tpu.vector_store_idx %arg8[%add3A_1002], %get3A_999 {add = true} : memref<4096xf32, #tpu.memory_space<vmem>>[vector<16xi32>], vector<16xf32>,
      %mul3A_1003 = arith.constant 8 : i32
      %mul3A_1004 = arith.muli %scan3A_868, %mul3A_1003 : i32
      %add3A_1005 = arith.constant 2 : i32
      %add3A_1006 = arith.addi %mul3A_1004, %add3A_1005 : i32
      %mul3A_1007 = arith.constant 16 : i32
      %mul3A_1008 = arith.muli %add3A_1006, %mul3A_1007 : i32
      %get3A_1009 = arith.constant 1 : i32
      %get3A_1010 = arith.index_cast %get3A_1009 : i32 to index
      %get3A_1011 = arith.index_cast %mul3A_1008 : i32 to index
      %get3A_1012 = tpu.vector_load %arg7[%get3A_1010, %get3A_1011] {strides = array<i32>} : memref<3x4096xf32, #tpu.memory_space<vmem>>, vector<16xf32>,
      %add3A_1013 = arith.constant 1024 : i32
      %add3A_1014 = vector.broadcast %add3A_1013 : i32 to vector<16xi32>
      %add3A_1015 = arith.addi %add3A_989, %add3A_1014 : vector<16xi32>
      tpu.vector_store_idx %arg8[%add3A_1015], %get3A_1012 {add = true} : memref<4096xf32, #tpu.memory_space<vmem>>[vector<16xi32>], vector<16xf32>,
      %mul3A_1016 = arith.constant 8 : i32
      %mul3A_1017 = arith.muli %scan3A_868, %mul3A_1016 : i32
      %add3A_1018 = arith.constant 2 : i32
      %add3A_1019 = arith.addi %mul3A_1017, %add3A_1018 : i32
      %mul3A_1020 = arith.constant 16 : i32
      %mul3A_1021 = arith.muli %add3A_1019, %mul3A_1020 : i32
      %get3A_1022 = arith.constant 2 : i32
      %get3A_1023 = arith.index_cast %get3A_1022 : i32 to index
      %get3A_1024 = arith.index_cast %mul3A_1021 : i32 to index
      %get3A_1025 = tpu.vector_load %arg7[%get3A_1023, %get3A_1024] {strides = array<i32>} : memref<3x4096xf32, #tpu.memory_space<vmem>>, vector<16xf32>,
      %add3A_1026 = arith.constant 2048 : i32
      %add3A_1027 = vector.broadcast %add3A_1026 : i32 to vector<16xi32>
      %add3A_1028 = arith.addi %add3A_989, %add3A_1027 : vector<16xi32>
      tpu.vector_store_idx %arg8[%add3A_1028], %get3A_1025 {add = true} : memref<4096xf32, #tpu.memory_space<vmem>>[vector<16xi32>], vector<16xf32>,
      %add3A_1029 = arith.constant 3072 : i32
      %add3A_1030 = vector.broadcast %add3A_1029 : i32 to vector<16xi32>
      %add3A_1031 = arith.addi %add3A_989, %add3A_1030 : vector<16xi32>
      tpu.vector_store_idx %arg8[%add3A_1031], %broadcast_in_dim3A_10 {add = true} : memref<4096xf32, #tpu.memory_space<vmem>>[vector<16xi32>], vector<16xf32>,
      %mul3A_1032 = arith.constant 8 : i32
      %mul3A_1033 = arith.muli %scan3A_868, %mul3A_1032 : i32
      %add3A_1034 = arith.constant 3 : i32
      %add3A_1035 = arith.addi %mul3A_1033, %add3A_1034 : i32
      %mul3A_1036 = arith.constant 16 : i32
      %mul3A_1037 = arith.muli %add3A_1035, %mul3A_1036 : i32
      %get3A_1038 = arith.index_cast %mul3A_1037 : i32 to index
      %get3A_1039 = tpu.vector_load %arg6[%get3A_1038] {strides = array<i32>} : memref<4096xi32, #tpu.memory_space<vmem>>, vector<16xi32>,
      %mul3A_1040 = arith.constant 64 : i32
      %mul3A_1041 = vector.broadcast %mul3A_1040 : i32 to vector<16xi32>
      %mul3A_1042 = arith.muli %iota3A, %mul3A_1041 : vector<16xi32>
      %add3A_1043 = arith.addi %mul3A_1042, %get3A_1039 : vector<16xi32>
      %mul3A_1044 = arith.constant 8 : i32
      %mul3A_1045 = arith.muli %scan3A_868, %mul3A_1044 : i32
      %add3A_1046 = arith.constant 3 : i32
      %add3A_1047 = arith.addi %mul3A_1045, %add3A_1046 : i32
      %mul3A_1048 = arith.constant 16 : i32
      %mul3A_1049 = arith.muli %add3A_1047, %mul3A_1048 : i32
      %get3A_1050 = arith.constant 0 : i32
      %get3A_1051 = arith.index_cast %get3A_1050 : i32 to index
      %get3A_1052 = arith.index_cast %mul3A_1049 : i32 to index
      %get3A_1053 = tpu.vector_load %arg7[%get3A_1051, %get3A_1052] {strides = array<i32>} : memref<3x4096xf32, #tpu.memory_space<vmem>>, vector<16xf32>,
      %add3A_1054 = arith.constant 0 : i32
      %add3A_1055 = vector.broadcast %add3A_1054 : i32 to vector<16xi32>
      %add3A_1056 = arith.addi %add3A_1043, %add3A_1055 : vector<16xi32>
      tpu.vector_store_idx %arg8[%add3A_1056], %get3A_1053 {add = true} : memref<4096xf32, #tpu.memory_space<vmem>>[vector<16xi32>], vector<16xf32>,
      %mul3A_1057 = arith.constant 8 : i32
      %mul3A_1058 = arith.muli %scan3A_868, %mul3A_1057 : i32
      %add3A_1059 = arith.constant 3 : i32
      %add3A_1060 = arith.addi %mul3A_1058, %add3A_1059 : i32
      %mul3A_1061 = arith.constant 16 : i32
      %mul3A_1062 = arith.muli %add3A_1060, %mul3A_1061 : i32
      %get3A_1063 = arith.constant 1 : i32
      %get3A_1064 = arith.index_cast %get3A_1063 : i32 to index
      %get3A_1065 = arith.index_cast %mul3A_1062 : i32 to index
      %get3A_1066 = tpu.vector_load %arg7[%get3A_1064, %get3A_1065] {strides = array<i32>} : memref<3x4096xf32, #tpu.memory_space<vmem>>, vector<16xf32>,
      %add3A_1067 = arith.constant 1024 : i32
      %add3A_1068 = vector.broadcast %add3A_1067 : i32 to vector<16xi32>
      %add3A_1069 = arith.addi %add3A_1043, %add3A_1068 : vector<16xi32>
      tpu.vector_store_idx %arg8[%add3A_1069], %get3A_1066 {add = true} : memref<4096xf32, #tpu.memory_space<vmem>>[vector<16xi32>], vector<16xf32>,
      %mul3A_1070 = arith.constant 8 : i32
      %mul3A_1071 = arith.muli %scan3A_868, %mul3A_1070 : i32
      %add3A_1072 = arith.constant 3 : i32
      %add3A_1073 = arith.addi %mul3A_1071, %add3A_1072 : i32
      %mul3A_1074 = arith.constant 16 : i32
      %mul3A_1075 = arith.muli %add3A_1073, %mul3A_1074 : i32
      %get3A_1076 = arith.constant 2 : i32
      %get3A_1077 = arith.index_cast %get3A_1076 : i32 to index
      %get3A_1078 = arith.index_cast %mul3A_1075 : i32 to index
      %get3A_1079 = tpu.vector_load %arg7[%get3A_1077, %get3A_1078] {strides = array<i32>} : memref<3x4096xf32, #tpu.memory_space<vmem>>, vector<16xf32>,
      %add3A_1080 = arith.constant 2048 : i32
      %add3A_1081 = vector.broadcast %add3A_1080 : i32 to vector<16xi32>
      %add3A_1082 = arith.addi %add3A_1043, %add3A_1081 : vector<16xi32>
      tpu.vector_store_idx %arg8[%add3A_1082], %get3A_1079 {add = true} : memref<4096xf32, #tpu.memory_space<vmem>>[vector<16xi32>], vector<16xf32>,
      %add3A_1083 = arith.constant 3072 : i32
      %add3A_1084 = vector.broadcast %add3A_1083 : i32 to vector<16xi32>
      %add3A_1085 = arith.addi %add3A_1043, %add3A_1084 : vector<16xi32>
      tpu.vector_store_idx %arg8[%add3A_1085], %broadcast_in_dim3A_10 {add = true} : memref<4096xf32, #tpu.memory_space<vmem>>[vector<16xi32>], vector<16xf32>,
      %mul3A_1086 = arith.constant 8 : i32
      %mul3A_1087 = arith.muli %scan3A_868, %mul3A_1086 : i32
      %add3A_1088 = arith.constant 4 : i32
      %add3A_1089 = arith.addi %mul3A_1087, %add3A_1088 : i32
      %mul3A_1090 = arith.constant 16 : i32
      %mul3A_1091 = arith.muli %add3A_1089, %mul3A_1090 : i32
      %get3A_1092 = arith.index_cast %mul3A_1091 : i32 to index
      %get3A_1093 = tpu.vector_load %arg6[%get3A_1092] {strides = array<i32>} : memref<4096xi32, #tpu.memory_space<vmem>>, vector<16xi32>,
      %mul3A_1094 = arith.constant 64 : i32
      %mul3A_1095 = vector.broadcast %mul3A_1094 : i32 to vector<16xi32>
      %mul3A_1096 = arith.muli %iota3A, %mul3A_1095 : vector<16xi32>
      %add3A_1097 = arith.addi %mul3A_1096, %get3A_1093 : vector<16xi32>
      %mul3A_1098 = arith.constant 8 : i32
      %mul3A_1099 = arith.muli %scan3A_868, %mul3A_1098 : i32
      %add3A_1100 = arith.constant 4 : i32
      %add3A_1101 = arith.addi %mul3A_1099, %add3A_1100 : i32
      %mul3A_1102 = arith.constant 16 : i32
      %mul3A_1103 = arith.muli %add3A_1101, %mul3A_1102 : i32
      %get3A_1104 = arith.constant 0 : i32
      %get3A_1105 = arith.index_cast %get3A_1104 : i32 to index
      %get3A_1106 = arith.index_cast %mul3A_1103 : i32 to index
      %get3A_1107 = tpu.vector_load %arg7[%get3A_1105, %get3A_1106] {strides = array<i32>} : memref<3x4096xf32, #tpu.memory_space<vmem>>, vector<16xf32>,
      %add3A_1108 = arith.constant 0 : i32
      %add3A_1109 = vector.broadcast %add3A_1108 : i32 to vector<16xi32>
      %add3A_1110 = arith.addi %add3A_1097, %add3A_1109 : vector<16xi32>
      tpu.vector_store_idx %arg8[%add3A_1110], %get3A_1107 {add = true} : memref<4096xf32, #tpu.memory_space<vmem>>[vector<16xi32>], vector<16xf32>,
      %mul3A_1111 = arith.constant 8 : i32
      %mul3A_1112 = arith.muli %scan3A_868, %mul3A_1111 : i32
      %add3A_1113 = arith.constant 4 : i32
      %add3A_1114 = arith.addi %mul3A_1112, %add3A_1113 : i32
      %mul3A_1115 = arith.constant 16 : i32
      %mul3A_1116 = arith.muli %add3A_1114, %mul3A_1115 : i32
      %get3A_1117 = arith.constant 1 : i32
      %get3A_1118 = arith.index_cast %get3A_1117 : i32 to index
      %get3A_1119 = arith.index_cast %mul3A_1116 : i32 to index
      %get3A_1120 = tpu.vector_load %arg7[%get3A_1118, %get3A_1119] {strides = array<i32>} : memref<3x4096xf32, #tpu.memory_space<vmem>>, vector<16xf32>,
      %add3A_1121 = arith.constant 1024 : i32
      %add3A_1122 = vector.broadcast %add3A_1121 : i32 to vector<16xi32>
      %add3A_1123 = arith.addi %add3A_1097, %add3A_1122 : vector<16xi32>
      tpu.vector_store_idx %arg8[%add3A_1123], %get3A_1120 {add = true} : memref<4096xf32, #tpu.memory_space<vmem>>[vector<16xi32>], vector<16xf32>,
      %mul3A_1124 = arith.constant 8 : i32
      %mul3A_1125 = arith.muli %scan3A_868, %mul3A_1124 : i32
      %add3A_1126 = arith.constant 4 : i32
      %add3A_1127 = arith.addi %mul3A_1125, %add3A_1126 : i32
      %mul3A_1128 = arith.constant 16 : i32
      %mul3A_1129 = arith.muli %add3A_1127, %mul3A_1128 : i32
      %get3A_1130 = arith.constant 2 : i32
      %get3A_1131 = arith.index_cast %get3A_1130 : i32 to index
      %get3A_1132 = arith.index_cast %mul3A_1129 : i32 to index
      %get3A_1133 = tpu.vector_load %arg7[%get3A_1131, %get3A_1132] {strides = array<i32>} : memref<3x4096xf32, #tpu.memory_space<vmem>>, vector<16xf32>,
      %add3A_1134 = arith.constant 2048 : i32
      %add3A_1135 = vector.broadcast %add3A_1134 : i32 to vector<16xi32>
      %add3A_1136 = arith.addi %add3A_1097, %add3A_1135 : vector<16xi32>
      tpu.vector_store_idx %arg8[%add3A_1136], %get3A_1133 {add = true} : memref<4096xf32, #tpu.memory_space<vmem>>[vector<16xi32>], vector<16xf32>,
      %add3A_1137 = arith.constant 3072 : i32
      %add3A_1138 = vector.broadcast %add3A_1137 : i32 to vector<16xi32>
      %add3A_1139 = arith.addi %add3A_1097, %add3A_1138 : vector<16xi32>
      tpu.vector_store_idx %arg8[%add3A_1139], %broadcast_in_dim3A_10 {add = true} : memref<4096xf32, #tpu.memory_space<vmem>>[vector<16xi32>], vector<16xf32>,
      %mul3A_1140 = arith.constant 8 : i32
      %mul3A_1141 = arith.muli %scan3A_868, %mul3A_1140 : i32
      %add3A_1142 = arith.constant 5 : i32
      %add3A_1143 = arith.addi %mul3A_1141, %add3A_1142 : i32
      %mul3A_1144 = arith.constant 16 : i32
      %mul3A_1145 = arith.muli %add3A_1143, %mul3A_1144 : i32
      %get3A_1146 = arith.index_cast %mul3A_1145 : i32 to index
      %get3A_1147 = tpu.vector_load %arg6[%get3A_1146] {strides = array<i32>} : memref<4096xi32, #tpu.memory_space<vmem>>, vector<16xi32>,
      %mul3A_1148 = arith.constant 64 : i32
      %mul3A_1149 = vector.broadcast %mul3A_1148 : i32 to vector<16xi32>
      %mul3A_1150 = arith.muli %iota3A, %mul3A_1149 : vector<16xi32>
      %add3A_1151 = arith.addi %mul3A_1150, %get3A_1147 : vector<16xi32>
      %mul3A_1152 = arith.constant 8 : i32
      %mul3A_1153 = arith.muli %scan3A_868, %mul3A_1152 : i32
      %add3A_1154 = arith.constant 5 : i32
      %add3A_1155 = arith.addi %mul3A_1153, %add3A_1154 : i32
      %mul3A_1156 = arith.constant 16 : i32
      %mul3A_1157 = arith.muli %add3A_1155, %mul3A_1156 : i32
      %get3A_1158 = arith.constant 0 : i32
      %get3A_1159 = arith.index_cast %get3A_1158 : i32 to index
      %get3A_1160 = arith.index_cast %mul3A_1157 : i32 to index
      %get3A_1161 = tpu.vector_load %arg7[%get3A_1159, %get3A_1160] {strides = array<i32>} : memref<3x4096xf32, #tpu.memory_space<vmem>>, vector<16xf32>,
      %add3A_1162 = arith.constant 0 : i32
      %add3A_1163 = vector.broadcast %add3A_1162 : i32 to vector<16xi32>
      %add3A_1164 = arith.addi %add3A_1151, %add3A_1163 : vector<16xi32>
      tpu.vector_store_idx %arg8[%add3A_1164], %get3A_1161 {add = true} : memref<4096xf32, #tpu.memory_space<vmem>>[vector<16xi32>], vector<16xf32>,
      %mul3A_1165 = arith.constant 8 : i32
      %mul3A_1166 = arith.muli %scan3A_868, %mul3A_1165 : i32
      %add3A_1167 = arith.constant 5 : i32
      %add3A_1168 = arith.addi %mul3A_1166, %add3A_1167 : i32
      %mul3A_1169 = arith.constant 16 : i32
      %mul3A_1170 = arith.muli %add3A_1168, %mul3A_1169 : i32
      %get3A_1171 = arith.constant 1 : i32
      %get3A_1172 = arith.index_cast %get3A_1171 : i32 to index
      %get3A_1173 = arith.index_cast %mul3A_1170 : i32 to index
      %get3A_1174 = tpu.vector_load %arg7[%get3A_1172, %get3A_1173] {strides = array<i32>} : memref<3x4096xf32, #tpu.memory_space<vmem>>, vector<16xf32>,
      %add3A_1175 = arith.constant 1024 : i32
      %add3A_1176 = vector.broadcast %add3A_1175 : i32 to vector<16xi32>
      %add3A_1177 = arith.addi %add3A_1151, %add3A_1176 : vector<16xi32>
      tpu.vector_store_idx %arg8[%add3A_1177], %get3A_1174 {add = true} : memref<4096xf32, #tpu.memory_space<vmem>>[vector<16xi32>], vector<16xf32>,
      %mul3A_1178 = arith.constant 8 : i32
      %mul3A_1179 = arith.muli %scan3A_868, %mul3A_1178 : i32
      %add3A_1180 = arith.constant 5 : i32
      %add3A_1181 = arith.addi %mul3A_1179, %add3A_1180 : i32
      %mul3A_1182 = arith.constant 16 : i32
      %mul3A_1183 = arith.muli %add3A_1181, %mul3A_1182 : i32
      %get3A_1184 = arith.constant 2 : i32
      %get3A_1185 = arith.index_cast %get3A_1184 : i32 to index
      %get3A_1186 = arith.index_cast %mul3A_1183 : i32 to index
      %get3A_1187 = tpu.vector_load %arg7[%get3A_1185, %get3A_1186] {strides = array<i32>} : memref<3x4096xf32, #tpu.memory_space<vmem>>, vector<16xf32>,
      %add3A_1188 = arith.constant 2048 : i32
      %add3A_1189 = vector.broadcast %add3A_1188 : i32 to vector<16xi32>
      %add3A_1190 = arith.addi %add3A_1151, %add3A_1189 : vector<16xi32>
      tpu.vector_store_idx %arg8[%add3A_1190], %get3A_1187 {add = true} : memref<4096xf32, #tpu.memory_space<vmem>>[vector<16xi32>], vector<16xf32>,
      %add3A_1191 = arith.constant 3072 : i32
      %add3A_1192 = vector.broadcast %add3A_1191 : i32 to vector<16xi32>
      %add3A_1193 = arith.addi %add3A_1151, %add3A_1192 : vector<16xi32>
      tpu.vector_store_idx %arg8[%add3A_1193], %broadcast_in_dim3A_10 {add = true} : memref<4096xf32, #tpu.memory_space<vmem>>[vector<16xi32>], vector<16xf32>,
      %mul3A_1194 = arith.constant 8 : i32
      %mul3A_1195 = arith.muli %scan3A_868, %mul3A_1194 : i32
      %add3A_1196 = arith.constant 6 : i32
      %add3A_1197 = arith.addi %mul3A_1195, %add3A_1196 : i32
      %mul3A_1198 = arith.constant 16 : i32
      %mul3A_1199 = arith.muli %add3A_1197, %mul3A_1198 : i32
      %get3A_1200 = arith.index_cast %mul3A_1199 : i32 to index
      %get3A_1201 = tpu.vector_load %arg6[%get3A_1200] {strides = array<i32>} : memref<4096xi32, #tpu.memory_space<vmem>>, vector<16xi32>,
      %mul3A_1202 = arith.constant 64 : i32
      %mul3A_1203 = vector.broadcast %mul3A_1202 : i32 to vector<16xi32>
      %mul3A_1204 = arith.muli %iota3A, %mul3A_1203 : vector<16xi32>
      %add3A_1205 = arith.addi %mul3A_1204, %get3A_1201 : vector<16xi32>
      %mul3A_1206 = arith.constant 8 : i32
      %mul3A_1207 = arith.muli %scan3A_868, %mul3A_1206 : i32
      %add3A_1208 = arith.constant 6 : i32
      %add3A_1209 = arith.addi %mul3A_1207, %add3A_1208 : i32
      %mul3A_1210 = arith.constant 16 : i32
      %mul3A_1211 = arith.muli %add3A_1209, %mul3A_1210 : i32
      %get3A_1212 = arith.constant 0 : i32
      %get3A_1213 = arith.index_cast %get3A_1212 : i32 to index
      %get3A_1214 = arith.index_cast %mul3A_1211 : i32 to index
      %get3A_1215 = tpu.vector_load %arg7[%get3A_1213, %get3A_1214] {strides = array<i32>} : memref<3x4096xf32, #tpu.memory_space<vmem>>, vector<16xf32>,
      %add3A_1216 = arith.constant 0 : i32
      %add3A_1217 = vector.broadcast %add3A_1216 : i32 to vector<16xi32>
      %add3A_1218 = arith.addi %add3A_1205, %add3A_1217 : vector<16xi32>
      tpu.vector_store_idx %arg8[%add3A_1218], %get3A_1215 {add = true} : memref<4096xf32, #tpu.memory_space<vmem>>[vector<16xi32>], vector<16xf32>,
      %mul3A_1219 = arith.constant 8 : i32
      %mul3A_1220 = arith.muli %scan3A_868, %mul3A_1219 : i32
      %add3A_1221 = arith.constant 6 : i32
      %add3A_1222 = arith.addi %mul3A_1220, %add3A_1221 : i32
      %mul3A_1223 = arith.constant 16 : i32
      %mul3A_1224 = arith.muli %add3A_1222, %mul3A_1223 : i32
      %get3A_1225 = arith.constant 1 : i32
      %get3A_1226 = arith.index_cast %get3A_1225 : i32 to index
      %get3A_1227 = arith.index_cast %mul3A_1224 : i32 to index
      %get3A_1228 = tpu.vector_load %arg7[%get3A_1226, %get3A_1227] {strides = array<i32>} : memref<3x4096xf32, #tpu.memory_space<vmem>>, vector<16xf32>,
      %add3A_1229 = arith.constant 1024 : i32
      %add3A_1230 = vector.broadcast %add3A_1229 : i32 to vector<16xi32>
      %add3A_1231 = arith.addi %add3A_1205, %add3A_1230 : vector<16xi32>
      tpu.vector_store_idx %arg8[%add3A_1231], %get3A_1228 {add = true} : memref<4096xf32, #tpu.memory_space<vmem>>[vector<16xi32>], vector<16xf32>,
      %mul3A_1232 = arith.constant 8 : i32
      %mul3A_1233 = arith.muli %scan3A_868, %mul3A_1232 : i32
      %add3A_1234 = arith.constant 6 : i32
      %add3A_1235 = arith.addi %mul3A_1233, %add3A_1234 : i32
      %mul3A_1236 = arith.constant 16 : i32
      %mul3A_1237 = arith.muli %add3A_1235, %mul3A_1236 : i32
      %get3A_1238 = arith.constant 2 : i32
      %get3A_1239 = arith.index_cast %get3A_1238 : i32 to index
      %get3A_1240 = arith.index_cast %mul3A_1237 : i32 to index
      %get3A_1241 = tpu.vector_load %arg7[%get3A_1239, %get3A_1240] {strides = array<i32>} : memref<3x4096xf32, #tpu.memory_space<vmem>>, vector<16xf32>,
      %add3A_1242 = arith.constant 2048 : i32
      %add3A_1243 = vector.broadcast %add3A_1242 : i32 to vector<16xi32>
      %add3A_1244 = arith.addi %add3A_1205, %add3A_1243 : vector<16xi32>
      tpu.vector_store_idx %arg8[%add3A_1244], %get3A_1241 {add = true} : memref<4096xf32, #tpu.memory_space<vmem>>[vector<16xi32>], vector<16xf32>,
      %add3A_1245 = arith.constant 3072 : i32
      %add3A_1246 = vector.broadcast %add3A_1245 : i32 to vector<16xi32>
      %add3A_1247 = arith.addi %add3A_1205, %add3A_1246 : vector<16xi32>
      tpu.vector_store_idx %arg8[%add3A_1247], %broadcast_in_dim3A_10 {add = true} : memref<4096xf32, #tpu.memory_space<vmem>>[vector<16xi32>], vector<16xf32>,
      %mul3A_1248 = arith.constant 8 : i32
      %mul3A_1249 = arith.muli %scan3A_868, %mul3A_1248 : i32
      %add3A_1250 = arith.constant 7 : i32
      %add3A_1251 = arith.addi %mul3A_1249, %add3A_1250 : i32
      %mul3A_1252 = arith.constant 16 : i32
      %mul3A_1253 = arith.muli %add3A_1251, %mul3A_1252 : i32
      %get3A_1254 = arith.index_cast %mul3A_1253 : i32 to index
      %get3A_1255 = tpu.vector_load %arg6[%get3A_1254] {strides = array<i32>} : memref<4096xi32, #tpu.memory_space<vmem>>, vector<16xi32>,
      %mul3A_1256 = arith.constant 64 : i32
      %mul3A_1257 = vector.broadcast %mul3A_1256 : i32 to vector<16xi32>
      %mul3A_1258 = arith.muli %iota3A, %mul3A_1257 : vector<16xi32>
      %add3A_1259 = arith.addi %mul3A_1258, %get3A_1255 : vector<16xi32>
      %mul3A_1260 = arith.constant 8 : i32
      %mul3A_1261 = arith.muli %scan3A_868, %mul3A_1260 : i32
      %add3A_1262 = arith.constant 7 : i32
      %add3A_1263 = arith.addi %mul3A_1261, %add3A_1262 : i32
      %mul3A_1264 = arith.constant 16 : i32
      %mul3A_1265 = arith.muli %add3A_1263, %mul3A_1264 : i32
      %get3A_1266 = arith.constant 0 : i32
      %get3A_1267 = arith.index_cast %get3A_1266 : i32 to index
      %get3A_1268 = arith.index_cast %mul3A_1265 : i32 to index
      %get3A_1269 = tpu.vector_load %arg7[%get3A_1267, %get3A_1268] {strides = array<i32>} : memref<3x4096xf32, #tpu.memory_space<vmem>>, vector<16xf32>,
      %add3A_1270 = arith.constant 0 : i32
      %add3A_1271 = vector.broadcast %add3A_1270 : i32 to vector<16xi32>
      %add3A_1272 = arith.addi %add3A_1259, %add3A_1271 : vector<16xi32>
      tpu.vector_store_idx %arg8[%add3A_1272], %get3A_1269 {add = true} : memref<4096xf32, #tpu.memory_space<vmem>>[vector<16xi32>], vector<16xf32>,
      %mul3A_1273 = arith.constant 8 : i32
      %mul3A_1274 = arith.muli %scan3A_868, %mul3A_1273 : i32
      %add3A_1275 = arith.constant 7 : i32
      %add3A_1276 = arith.addi %mul3A_1274, %add3A_1275 : i32
      %mul3A_1277 = arith.constant 16 : i32
      %mul3A_1278 = arith.muli %add3A_1276, %mul3A_1277 : i32
      %get3A_1279 = arith.constant 1 : i32
      %get3A_1280 = arith.index_cast %get3A_1279 : i32 to index
      %get3A_1281 = arith.index_cast %mul3A_1278 : i32 to index
      %get3A_1282 = tpu.vector_load %arg7[%get3A_1280, %get3A_1281] {strides = array<i32>} : memref<3x4096xf32, #tpu.memory_space<vmem>>, vector<16xf32>,
      %add3A_1283 = arith.constant 1024 : i32
      %add3A_1284 = vector.broadcast %add3A_1283 : i32 to vector<16xi32>
      %add3A_1285 = arith.addi %add3A_1259, %add3A_1284 : vector<16xi32>
      tpu.vector_store_idx %arg8[%add3A_1285], %get3A_1282 {add = true} : memref<4096xf32, #tpu.memory_space<vmem>>[vector<16xi32>], vector<16xf32>,
      %mul3A_1286 = arith.constant 8 : i32
      %mul3A_1287 = arith.muli %scan3A_868, %mul3A_1286 : i32
      %add3A_1288 = arith.constant 7 : i32
      %add3A_1289 = arith.addi %mul3A_1287, %add3A_1288 : i32
      %mul3A_1290 = arith.constant 16 : i32
      %mul3A_1291 = arith.muli %add3A_1289, %mul3A_1290 : i32
      %get3A_1292 = arith.constant 2 : i32
      %get3A_1293 = arith.index_cast %get3A_1292 : i32 to index
      %get3A_1294 = arith.index_cast %mul3A_1291 : i32 to index
      %get3A_1295 = tpu.vector_load %arg7[%get3A_1293, %get3A_1294] {strides = array<i32>} : memref<3x4096xf32, #tpu.memory_space<vmem>>, vector<16xf32>,
      %add3A_1296 = arith.constant 2048 : i32
      %add3A_1297 = vector.broadcast %add3A_1296 : i32 to vector<16xi32>
      %add3A_1298 = arith.addi %add3A_1259, %add3A_1297 : vector<16xi32>
      tpu.vector_store_idx %arg8[%add3A_1298], %get3A_1295 {add = true} : memref<4096xf32, #tpu.memory_space<vmem>>[vector<16xi32>], vector<16xf32>,
      %add3A_1299 = arith.constant 3072 : i32
      %add3A_1300 = vector.broadcast %add3A_1299 : i32 to vector<16xi32>
      %add3A_1301 = arith.addi %add3A_1259, %add3A_1300 : vector<16xi32>
      tpu.vector_store_idx %arg8[%add3A_1301], %broadcast_in_dim3A_10 {add = true} : memref<4096xf32, #tpu.memory_space<vmem>>[vector<16xi32>], vector<16xf32>,
      %scan3A_1302 = arith.constant 0 : i32
      scf.yield %scan3A_1302 : i32
    }
    %scan3A_30 = arith.constant 32 : i32
    %get3A = arith.constant 3072 : index
    %get3A_31 = tpu.vector_load %arg8[%get3A] {strides = array<i32>} : memref<4096xf32, #tpu.memory_space<vmem>>, vector<16xf32>,
    %add3A_32 = arith.addf %broadcast_in_dim3A_8, %get3A_31 : vector<16xf32>
    %get3A_33 = arith.constant 3136 : index
    %get3A_34 = tpu.vector_load %arg8[%get3A_33] {strides = array<i32>} : memref<4096xf32, #tpu.memory_space<vmem>>, vector<16xf32>,
    %add3A_35 = arith.addf %add3A_32, %get3A_34 : vector<16xf32>
    %get3A_36 = arith.constant 3200 : index
    %get3A_37 = tpu.vector_load %arg8[%get3A_36] {strides = array<i32>} : memref<4096xf32, #tpu.memory_space<vmem>>, vector<16xf32>,
    %add3A_38 = arith.addf %add3A_35, %get3A_37 : vector<16xf32>
    %get3A_39 = arith.constant 3264 : index
    %get3A_40 = tpu.vector_load %arg8[%get3A_39] {strides = array<i32>} : memref<4096xf32, #tpu.memory_space<vmem>>, vector<16xf32>,
    %add3A_41 = arith.addf %add3A_38, %get3A_40 : vector<16xf32>
    %get3A_42 = arith.constant 3328 : index
    %get3A_43 = tpu.vector_load %arg8[%get3A_42] {strides = array<i32>} : memref<4096xf32, #tpu.memory_space<vmem>>, vector<16xf32>,
    %add3A_44 = arith.addf %add3A_41, %get3A_43 : vector<16xf32>
    %get3A_45 = arith.constant 3392 : index
    %get3A_46 = tpu.vector_load %arg8[%get3A_45] {strides = array<i32>} : memref<4096xf32, #tpu.memory_space<vmem>>, vector<16xf32>,
    %add3A_47 = arith.addf %add3A_44, %get3A_46 : vector<16xf32>
    %get3A_48 = arith.constant 3456 : index
    %get3A_49 = tpu.vector_load %arg8[%get3A_48] {strides = array<i32>} : memref<4096xf32, #tpu.memory_space<vmem>>, vector<16xf32>,
    %add3A_50 = arith.addf %add3A_47, %get3A_49 : vector<16xf32>
    %get3A_51 = arith.constant 3520 : index
    %get3A_52 = tpu.vector_load %arg8[%get3A_51] {strides = array<i32>} : memref<4096xf32, #tpu.memory_space<vmem>>, vector<16xf32>,
    %add3A_53 = arith.addf %add3A_50, %get3A_52 : vector<16xf32>
    %get3A_54 = arith.constant 3584 : index
    %get3A_55 = tpu.vector_load %arg8[%get3A_54] {strides = array<i32>} : memref<4096xf32, #tpu.memory_space<vmem>>, vector<16xf32>,
    %add3A_56 = arith.addf %add3A_53, %get3A_55 : vector<16xf32>
    %get3A_57 = arith.constant 3648 : index
    %get3A_58 = tpu.vector_load %arg8[%get3A_57] {strides = array<i32>} : memref<4096xf32, #tpu.memory_space<vmem>>, vector<16xf32>,
    %add3A_59 = arith.addf %add3A_56, %get3A_58 : vector<16xf32>
    %get3A_60 = arith.constant 3712 : index
    %get3A_61 = tpu.vector_load %arg8[%get3A_60] {strides = array<i32>} : memref<4096xf32, #tpu.memory_space<vmem>>, vector<16xf32>,
    %add3A_62 = arith.addf %add3A_59, %get3A_61 : vector<16xf32>
    %get3A_63 = arith.constant 3776 : index
    %get3A_64 = tpu.vector_load %arg8[%get3A_63] {strides = array<i32>} : memref<4096xf32, #tpu.memory_space<vmem>>, vector<16xf32>,
    %add3A_65 = arith.addf %add3A_62, %get3A_64 : vector<16xf32>
    %get3A_66 = arith.constant 3840 : index
    %get3A_67 = tpu.vector_load %arg8[%get3A_66] {strides = array<i32>} : memref<4096xf32, #tpu.memory_space<vmem>>, vector<16xf32>,
    %add3A_68 = arith.addf %add3A_65, %get3A_67 : vector<16xf32>
    %get3A_69 = arith.constant 3904 : index
    %get3A_70 = tpu.vector_load %arg8[%get3A_69] {strides = array<i32>} : memref<4096xf32, #tpu.memory_space<vmem>>, vector<16xf32>,
    %add3A_71 = arith.addf %add3A_68, %get3A_70 : vector<16xf32>
    %get3A_72 = arith.constant 3968 : index
    %get3A_73 = tpu.vector_load %arg8[%get3A_72] {strides = array<i32>} : memref<4096xf32, #tpu.memory_space<vmem>>, vector<16xf32>,
    %add3A_74 = arith.addf %add3A_71, %get3A_73 : vector<16xf32>
    %get3A_75 = arith.constant 4032 : index
    %get3A_76 = tpu.vector_load %arg8[%get3A_75] {strides = array<i32>} : memref<4096xf32, #tpu.memory_space<vmem>>, vector<16xf32>,
    %add3A_77 = arith.addf %add3A_74, %get3A_76 : vector<16xf32>
    %max3A = arith.constant 1.000000e+00 : f32
    %max3A_78 = vector.broadcast %max3A : f32 to vector<16xf32>
    %max3A_79 = arith.maximumf %add3A_77, %max3A_78 : vector<16xf32>
    %div3A = arith.constant 1.000000e+00 : f32
    %div3A_80 = vector.broadcast %div3A : f32 to vector<16xf32>
    %div3A_81 = arith.divf %div3A_80, %max3A_79 : vector<16xf32>
    %add3A_82 = arith.constant 0 : i32
    %add3A_83 = vector.broadcast %add3A_82 : i32 to vector<16xi32>
    %add3A_84 = arith.addi %add3A_83, %iota3A : vector<16xi32>
    %get3A_85 = arith.constant 0 : index
    %get3A_86 = tpu.vector_load %arg8[%get3A_85] {strides = array<i32>} : memref<4096xf32, #tpu.memory_space<vmem>>, vector<16xf32>,
    %add3A_87 = arith.addf %broadcast_in_dim3A_8, %get3A_86 : vector<16xf32>
    %get3A_88 = arith.constant 64 : index
    %get3A_89 = tpu.vector_load %arg8[%get3A_88] {strides = array<i32>} : memref<4096xf32, #tpu.memory_space<vmem>>, vector<16xf32>,
    %add3A_90 = arith.addf %add3A_87, %get3A_89 : vector<16xf32>
    %get3A_91 = arith.constant 128 : index
    %get3A_92 = tpu.vector_load %arg8[%get3A_91] {strides = array<i32>} : memref<4096xf32, #tpu.memory_space<vmem>>, vector<16xf32>,
    %add3A_93 = arith.addf %add3A_90, %get3A_92 : vector<16xf32>
    %get3A_94 = arith.constant 192 : index
    %get3A_95 = tpu.vector_load %arg8[%get3A_94] {strides = array<i32>} : memref<4096xf32, #tpu.memory_space<vmem>>, vector<16xf32>,
    %add3A_96 = arith.addf %add3A_93, %get3A_95 : vector<16xf32>
    %get3A_97 = arith.constant 256 : index
    %get3A_98 = tpu.vector_load %arg8[%get3A_97] {strides = array<i32>} : memref<4096xf32, #tpu.memory_space<vmem>>, vector<16xf32>,
    %add3A_99 = arith.addf %add3A_96, %get3A_98 : vector<16xf32>
    %get3A_100 = arith.constant 320 : index
    %get3A_101 = tpu.vector_load %arg8[%get3A_100] {strides = array<i32>} : memref<4096xf32, #tpu.memory_space<vmem>>, vector<16xf32>,
    %add3A_102 = arith.addf %add3A_99, %get3A_101 : vector<16xf32>
    %get3A_103 = arith.constant 384 : index
    %get3A_104 = tpu.vector_load %arg8[%get3A_103] {strides = array<i32>} : memref<4096xf32, #tpu.memory_space<vmem>>, vector<16xf32>,
    %add3A_105 = arith.addf %add3A_102, %get3A_104 : vector<16xf32>
    %get3A_106 = arith.constant 448 : index
    %get3A_107 = tpu.vector_load %arg8[%get3A_106] {strides = array<i32>} : memref<4096xf32, #tpu.memory_space<vmem>>, vector<16xf32>,
    %add3A_108 = arith.addf %add3A_105, %get3A_107 : vector<16xf32>
    %get3A_109 = arith.constant 512 : index
    %get3A_110 = tpu.vector_load %arg8[%get3A_109] {strides = array<i32>} : memref<4096xf32, #tpu.memory_space<vmem>>, vector<16xf32>,
    %add3A_111 = arith.addf %add3A_108, %get3A_110 : vector<16xf32>
    %get3A_112 = arith.constant 576 : index
    %get3A_113 = tpu.vector_load %arg8[%get3A_112] {strides = array<i32>} : memref<4096xf32, #tpu.memory_space<vmem>>, vector<16xf32>,
    %add3A_114 = arith.addf %add3A_111, %get3A_113 : vector<16xf32>
    %get3A_115 = arith.constant 640 : index
    %get3A_116 = tpu.vector_load %arg8[%get3A_115] {strides = array<i32>} : memref<4096xf32, #tpu.memory_space<vmem>>, vector<16xf32>,
    %add3A_117 = arith.addf %add3A_114, %get3A_116 : vector<16xf32>
    %get3A_118 = arith.constant 704 : index
    %get3A_119 = tpu.vector_load %arg8[%get3A_118] {strides = array<i32>} : memref<4096xf32, #tpu.memory_space<vmem>>, vector<16xf32>,
    %add3A_120 = arith.addf %add3A_117, %get3A_119 : vector<16xf32>
    %get3A_121 = arith.constant 768 : index
    %get3A_122 = tpu.vector_load %arg8[%get3A_121] {strides = array<i32>} : memref<4096xf32, #tpu.memory_space<vmem>>, vector<16xf32>,
    %add3A_123 = arith.addf %add3A_120, %get3A_122 : vector<16xf32>
    %get3A_124 = arith.constant 832 : index
    %get3A_125 = tpu.vector_load %arg8[%get3A_124] {strides = array<i32>} : memref<4096xf32, #tpu.memory_space<vmem>>, vector<16xf32>,
    %add3A_126 = arith.addf %add3A_123, %get3A_125 : vector<16xf32>
    %get3A_127 = arith.constant 896 : index
    %get3A_128 = tpu.vector_load %arg8[%get3A_127] {strides = array<i32>} : memref<4096xf32, #tpu.memory_space<vmem>>, vector<16xf32>,
    %add3A_129 = arith.addf %add3A_126, %get3A_128 : vector<16xf32>
    %get3A_130 = arith.constant 960 : index
    %get3A_131 = tpu.vector_load %arg8[%get3A_130] {strides = array<i32>} : memref<4096xf32, #tpu.memory_space<vmem>>, vector<16xf32>,
    %add3A_132 = arith.addf %add3A_129, %get3A_131 : vector<16xf32>
    %broadcast_in_dim3A_133 = arith.constant 0 : i32
    %broadcast_in_dim3A_134 = vector.broadcast %broadcast_in_dim3A_133 : i32 to vector<16xi32>
    %mul3A_135 = arith.mulf %add3A_132, %div3A_81 : vector<16xf32>
    tpu.vector_store_idx %arg9[%add3A_84, %broadcast_in_dim3A_134], %mul3A_135 : memref<64x3xf32, #tpu.memory_space<vmem>>[vector<16xi32>, vector<16xi32>], vector<16xf32>,
    %get3A_136 = arith.constant 1024 : index
    %get3A_137 = tpu.vector_load %arg8[%get3A_136] {strides = array<i32>} : memref<4096xf32, #tpu.memory_space<vmem>>, vector<16xf32>,
    %add3A_138 = arith.addf %broadcast_in_dim3A_8, %get3A_137 : vector<16xf32>
    %get3A_139 = arith.constant 1088 : index
    %get3A_140 = tpu.vector_load %arg8[%get3A_139] {strides = array<i32>} : memref<4096xf32, #tpu.memory_space<vmem>>, vector<16xf32>,
    %add3A_141 = arith.addf %add3A_138, %get3A_140 : vector<16xf32>
    %get3A_142 = arith.constant 1152 : index
    %get3A_143 = tpu.vector_load %arg8[%get3A_142] {strides = array<i32>} : memref<4096xf32, #tpu.memory_space<vmem>>, vector<16xf32>,
    %add3A_144 = arith.addf %add3A_141, %get3A_143 : vector<16xf32>
    %get3A_145 = arith.constant 1216 : index
    %get3A_146 = tpu.vector_load %arg8[%get3A_145] {strides = array<i32>} : memref<4096xf32, #tpu.memory_space<vmem>>, vector<16xf32>,
    %add3A_147 = arith.addf %add3A_144, %get3A_146 : vector<16xf32>
    %get3A_148 = arith.constant 1280 : index
    %get3A_149 = tpu.vector_load %arg8[%get3A_148] {strides = array<i32>} : memref<4096xf32, #tpu.memory_space<vmem>>, vector<16xf32>,
    %add3A_150 = arith.addf %add3A_147, %get3A_149 : vector<16xf32>
    %get3A_151 = arith.constant 1344 : index
    %get3A_152 = tpu.vector_load %arg8[%get3A_151] {strides = array<i32>} : memref<4096xf32, #tpu.memory_space<vmem>>, vector<16xf32>,
    %add3A_153 = arith.addf %add3A_150, %get3A_152 : vector<16xf32>
    %get3A_154 = arith.constant 1408 : index
    %get3A_155 = tpu.vector_load %arg8[%get3A_154] {strides = array<i32>} : memref<4096xf32, #tpu.memory_space<vmem>>, vector<16xf32>,
    %add3A_156 = arith.addf %add3A_153, %get3A_155 : vector<16xf32>
    %get3A_157 = arith.constant 1472 : index
    %get3A_158 = tpu.vector_load %arg8[%get3A_157] {strides = array<i32>} : memref<4096xf32, #tpu.memory_space<vmem>>, vector<16xf32>,
    %add3A_159 = arith.addf %add3A_156, %get3A_158 : vector<16xf32>
    %get3A_160 = arith.constant 1536 : index
    %get3A_161 = tpu.vector_load %arg8[%get3A_160] {strides = array<i32>} : memref<4096xf32, #tpu.memory_space<vmem>>, vector<16xf32>,
    %add3A_162 = arith.addf %add3A_159, %get3A_161 : vector<16xf32>
    %get3A_163 = arith.constant 1600 : index
    %get3A_164 = tpu.vector_load %arg8[%get3A_163] {strides = array<i32>} : memref<4096xf32, #tpu.memory_space<vmem>>, vector<16xf32>,
    %add3A_165 = arith.addf %add3A_162, %get3A_164 : vector<16xf32>
    %get3A_166 = arith.constant 1664 : index
    %get3A_167 = tpu.vector_load %arg8[%get3A_166] {strides = array<i32>} : memref<4096xf32, #tpu.memory_space<vmem>>, vector<16xf32>,
    %add3A_168 = arith.addf %add3A_165, %get3A_167 : vector<16xf32>
    %get3A_169 = arith.constant 1728 : index
    %get3A_170 = tpu.vector_load %arg8[%get3A_169] {strides = array<i32>} : memref<4096xf32, #tpu.memory_space<vmem>>, vector<16xf32>,
    %add3A_171 = arith.addf %add3A_168, %get3A_170 : vector<16xf32>
    %get3A_172 = arith.constant 1792 : index
    %get3A_173 = tpu.vector_load %arg8[%get3A_172] {strides = array<i32>} : memref<4096xf32, #tpu.memory_space<vmem>>, vector<16xf32>,
    %add3A_174 = arith.addf %add3A_171, %get3A_173 : vector<16xf32>
    %get3A_175 = arith.constant 1856 : index
    %get3A_176 = tpu.vector_load %arg8[%get3A_175] {strides = array<i32>} : memref<4096xf32, #tpu.memory_space<vmem>>, vector<16xf32>,
    %add3A_177 = arith.addf %add3A_174, %get3A_176 : vector<16xf32>
    %get3A_178 = arith.constant 1920 : index
    %get3A_179 = tpu.vector_load %arg8[%get3A_178] {strides = array<i32>} : memref<4096xf32, #tpu.memory_space<vmem>>, vector<16xf32>,
    %add3A_180 = arith.addf %add3A_177, %get3A_179 : vector<16xf32>
    %get3A_181 = arith.constant 1984 : index
    %get3A_182 = tpu.vector_load %arg8[%get3A_181] {strides = array<i32>} : memref<4096xf32, #tpu.memory_space<vmem>>, vector<16xf32>,
    %add3A_183 = arith.addf %add3A_180, %get3A_182 : vector<16xf32>
    %broadcast_in_dim3A_184 = arith.constant 1 : i32
    %broadcast_in_dim3A_185 = vector.broadcast %broadcast_in_dim3A_184 : i32 to vector<16xi32>
    %mul3A_186 = arith.mulf %add3A_183, %div3A_81 : vector<16xf32>
    tpu.vector_store_idx %arg9[%add3A_84, %broadcast_in_dim3A_185], %mul3A_186 : memref<64x3xf32, #tpu.memory_space<vmem>>[vector<16xi32>, vector<16xi32>], vector<16xf32>,
    %get3A_187 = arith.constant 2048 : index
    %get3A_188 = tpu.vector_load %arg8[%get3A_187] {strides = array<i32>} : memref<4096xf32, #tpu.memory_space<vmem>>, vector<16xf32>,
    %add3A_189 = arith.addf %broadcast_in_dim3A_8, %get3A_188 : vector<16xf32>
    %get3A_190 = arith.constant 2112 : index
    %get3A_191 = tpu.vector_load %arg8[%get3A_190] {strides = array<i32>} : memref<4096xf32, #tpu.memory_space<vmem>>, vector<16xf32>,
    %add3A_192 = arith.addf %add3A_189, %get3A_191 : vector<16xf32>
    %get3A_193 = arith.constant 2176 : index
    %get3A_194 = tpu.vector_load %arg8[%get3A_193] {strides = array<i32>} : memref<4096xf32, #tpu.memory_space<vmem>>, vector<16xf32>,
    %add3A_195 = arith.addf %add3A_192, %get3A_194 : vector<16xf32>
    %get3A_196 = arith.constant 2240 : index
    %get3A_197 = tpu.vector_load %arg8[%get3A_196] {strides = array<i32>} : memref<4096xf32, #tpu.memory_space<vmem>>, vector<16xf32>,
    %add3A_198 = arith.addf %add3A_195, %get3A_197 : vector<16xf32>
    %get3A_199 = arith.constant 2304 : index
    %get3A_200 = tpu.vector_load %arg8[%get3A_199] {strides = array<i32>} : memref<4096xf32, #tpu.memory_space<vmem>>, vector<16xf32>,
    %add3A_201 = arith.addf %add3A_198, %get3A_200 : vector<16xf32>
    %get3A_202 = arith.constant 2368 : index
    %get3A_203 = tpu.vector_load %arg8[%get3A_202] {strides = array<i32>} : memref<4096xf32, #tpu.memory_space<vmem>>, vector<16xf32>,
    %add3A_204 = arith.addf %add3A_201, %get3A_203 : vector<16xf32>
    %get3A_205 = arith.constant 2432 : index
    %get3A_206 = tpu.vector_load %arg8[%get3A_205] {strides = array<i32>} : memref<4096xf32, #tpu.memory_space<vmem>>, vector<16xf32>,
    %add3A_207 = arith.addf %add3A_204, %get3A_206 : vector<16xf32>
    %get3A_208 = arith.constant 2496 : index
    %get3A_209 = tpu.vector_load %arg8[%get3A_208] {strides = array<i32>} : memref<4096xf32, #tpu.memory_space<vmem>>, vector<16xf32>,
    %add3A_210 = arith.addf %add3A_207, %get3A_209 : vector<16xf32>
    %get3A_211 = arith.constant 2560 : index
    %get3A_212 = tpu.vector_load %arg8[%get3A_211] {strides = array<i32>} : memref<4096xf32, #tpu.memory_space<vmem>>, vector<16xf32>,
    %add3A_213 = arith.addf %add3A_210, %get3A_212 : vector<16xf32>
    %get3A_214 = arith.constant 2624 : index
    %get3A_215 = tpu.vector_load %arg8[%get3A_214] {strides = array<i32>} : memref<4096xf32, #tpu.memory_space<vmem>>, vector<16xf32>,
    %add3A_216 = arith.addf %add3A_213, %get3A_215 : vector<16xf32>
    %get3A_217 = arith.constant 2688 : index
    %get3A_218 = tpu.vector_load %arg8[%get3A_217] {strides = array<i32>} : memref<4096xf32, #tpu.memory_space<vmem>>, vector<16xf32>,
    %add3A_219 = arith.addf %add3A_216, %get3A_218 : vector<16xf32>
    %get3A_220 = arith.constant 2752 : index
    %get3A_221 = tpu.vector_load %arg8[%get3A_220] {strides = array<i32>} : memref<4096xf32, #tpu.memory_space<vmem>>, vector<16xf32>,
    %add3A_222 = arith.addf %add3A_219, %get3A_221 : vector<16xf32>
    %get3A_223 = arith.constant 2816 : index
    %get3A_224 = tpu.vector_load %arg8[%get3A_223] {strides = array<i32>} : memref<4096xf32, #tpu.memory_space<vmem>>, vector<16xf32>,
    %add3A_225 = arith.addf %add3A_222, %get3A_224 : vector<16xf32>
    %get3A_226 = arith.constant 2880 : index
    %get3A_227 = tpu.vector_load %arg8[%get3A_226] {strides = array<i32>} : memref<4096xf32, #tpu.memory_space<vmem>>, vector<16xf32>,
    %add3A_228 = arith.addf %add3A_225, %get3A_227 : vector<16xf32>
    %get3A_229 = arith.constant 2944 : index
    %get3A_230 = tpu.vector_load %arg8[%get3A_229] {strides = array<i32>} : memref<4096xf32, #tpu.memory_space<vmem>>, vector<16xf32>,
    %add3A_231 = arith.addf %add3A_228, %get3A_230 : vector<16xf32>
    %get3A_232 = arith.constant 3008 : index
    %get3A_233 = tpu.vector_load %arg8[%get3A_232] {strides = array<i32>} : memref<4096xf32, #tpu.memory_space<vmem>>, vector<16xf32>,
    %add3A_234 = arith.addf %add3A_231, %get3A_233 : vector<16xf32>
    %broadcast_in_dim3A_235 = arith.constant 2 : i32
    %broadcast_in_dim3A_236 = vector.broadcast %broadcast_in_dim3A_235 : i32 to vector<16xi32>
    %mul3A_237 = arith.mulf %add3A_234, %div3A_81 : vector<16xf32>
    tpu.vector_store_idx %arg9[%add3A_84, %broadcast_in_dim3A_236], %mul3A_237 : memref<64x3xf32, #tpu.memory_space<vmem>>[vector<16xi32>, vector<16xi32>], vector<16xf32>,
    %get3A_238 = arith.constant 3088 : index
    %get3A_239 = tpu.vector_load %arg8[%get3A_238] {strides = array<i32>} : memref<4096xf32, #tpu.memory_space<vmem>>, vector<16xf32>,
    %add3A_240 = arith.addf %broadcast_in_dim3A_8, %get3A_239 : vector<16xf32>
    %get3A_241 = arith.constant 3152 : index
    %get3A_242 = tpu.vector_load %arg8[%get3A_241] {strides = array<i32>} : memref<4096xf32, #tpu.memory_space<vmem>>, vector<16xf32>,
    %add3A_243 = arith.addf %add3A_240, %get3A_242 : vector<16xf32>
    %get3A_244 = arith.constant 3216 : index
    %get3A_245 = tpu.vector_load %arg8[%get3A_244] {strides = array<i32>} : memref<4096xf32, #tpu.memory_space<vmem>>, vector<16xf32>,
    %add3A_246 = arith.addf %add3A_243, %get3A_245 : vector<16xf32>
    %get3A_247 = arith.constant 3280 : index
    %get3A_248 = tpu.vector_load %arg8[%get3A_247] {strides = array<i32>} : memref<4096xf32, #tpu.memory_space<vmem>>, vector<16xf32>,
    %add3A_249 = arith.addf %add3A_246, %get3A_248 : vector<16xf32>
    %get3A_250 = arith.constant 3344 : index
    %get3A_251 = tpu.vector_load %arg8[%get3A_250] {strides = array<i32>} : memref<4096xf32, #tpu.memory_space<vmem>>, vector<16xf32>,
    %add3A_252 = arith.addf %add3A_249, %get3A_251 : vector<16xf32>
    %get3A_253 = arith.constant 3408 : index
    %get3A_254 = tpu.vector_load %arg8[%get3A_253] {strides = array<i32>} : memref<4096xf32, #tpu.memory_space<vmem>>, vector<16xf32>,
    %add3A_255 = arith.addf %add3A_252, %get3A_254 : vector<16xf32>
    %get3A_256 = arith.constant 3472 : index
    %get3A_257 = tpu.vector_load %arg8[%get3A_256] {strides = array<i32>} : memref<4096xf32, #tpu.memory_space<vmem>>, vector<16xf32>,
    %add3A_258 = arith.addf %add3A_255, %get3A_257 : vector<16xf32>
    %get3A_259 = arith.constant 3536 : index
    %get3A_260 = tpu.vector_load %arg8[%get3A_259] {strides = array<i32>} : memref<4096xf32, #tpu.memory_space<vmem>>, vector<16xf32>,
    %add3A_261 = arith.addf %add3A_258, %get3A_260 : vector<16xf32>
    %get3A_262 = arith.constant 3600 : index
    %get3A_263 = tpu.vector_load %arg8[%get3A_262] {strides = array<i32>} : memref<4096xf32, #tpu.memory_space<vmem>>, vector<16xf32>,
    %add3A_264 = arith.addf %add3A_261, %get3A_263 : vector<16xf32>
    %get3A_265 = arith.constant 3664 : index
    %get3A_266 = tpu.vector_load %arg8[%get3A_265] {strides = array<i32>} : memref<4096xf32, #tpu.memory_space<vmem>>, vector<16xf32>,
    %add3A_267 = arith.addf %add3A_264, %get3A_266 : vector<16xf32>
    %get3A_268 = arith.constant 3728 : index
    %get3A_269 = tpu.vector_load %arg8[%get3A_268] {strides = array<i32>} : memref<4096xf32, #tpu.memory_space<vmem>>, vector<16xf32>,
    %add3A_270 = arith.addf %add3A_267, %get3A_269 : vector<16xf32>
    %get3A_271 = arith.constant 3792 : index
    %get3A_272 = tpu.vector_load %arg8[%get3A_271] {strides = array<i32>} : memref<4096xf32, #tpu.memory_space<vmem>>, vector<16xf32>,
    %add3A_273 = arith.addf %add3A_270, %get3A_272 : vector<16xf32>
    %get3A_274 = arith.constant 3856 : index
    %get3A_275 = tpu.vector_load %arg8[%get3A_274] {strides = array<i32>} : memref<4096xf32, #tpu.memory_space<vmem>>, vector<16xf32>,
    %add3A_276 = arith.addf %add3A_273, %get3A_275 : vector<16xf32>
    %get3A_277 = arith.constant 3920 : index
    %get3A_278 = tpu.vector_load %arg8[%get3A_277] {strides = array<i32>} : memref<4096xf32, #tpu.memory_space<vmem>>, vector<16xf32>,
    %add3A_279 = arith.addf %add3A_276, %get3A_278 : vector<16xf32>
    %get3A_280 = arith.constant 3984 : index
    %get3A_281 = tpu.vector_load %arg8[%get3A_280] {strides = array<i32>} : memref<4096xf32, #tpu.memory_space<vmem>>, vector<16xf32>,
    %add3A_282 = arith.addf %add3A_279, %get3A_281 : vector<16xf32>
    %get3A_283 = arith.constant 4048 : index
    %get3A_284 = tpu.vector_load %arg8[%get3A_283] {strides = array<i32>} : memref<4096xf32, #tpu.memory_space<vmem>>, vector<16xf32>,
    %add3A_285 = arith.addf %add3A_282, %get3A_284 : vector<16xf32>
    %max3A_286 = arith.constant 1.000000e+00 : f32
    %max3A_287 = vector.broadcast %max3A_286 : f32 to vector<16xf32>
    %max3A_288 = arith.maximumf %add3A_285, %max3A_287 : vector<16xf32>
    %div3A_289 = arith.constant 1.000000e+00 : f32
    %div3A_290 = vector.broadcast %div3A_289 : f32 to vector<16xf32>
    %div3A_291 = arith.divf %div3A_290, %max3A_288 : vector<16xf32>
    %add3A_292 = arith.constant 16 : i32
    %add3A_293 = vector.broadcast %add3A_292 : i32 to vector<16xi32>
    %add3A_294 = arith.addi %add3A_293, %iota3A : vector<16xi32>
    %get3A_295 = arith.constant 16 : index
    %get3A_296 = tpu.vector_load %arg8[%get3A_295] {strides = array<i32>} : memref<4096xf32, #tpu.memory_space<vmem>>, vector<16xf32>,
    %add3A_297 = arith.addf %broadcast_in_dim3A_8, %get3A_296 : vector<16xf32>
    %get3A_298 = arith.constant 80 : index
    %get3A_299 = tpu.vector_load %arg8[%get3A_298] {strides = array<i32>} : memref<4096xf32, #tpu.memory_space<vmem>>, vector<16xf32>,
    %add3A_300 = arith.addf %add3A_297, %get3A_299 : vector<16xf32>
    %get3A_301 = arith.constant 144 : index
    %get3A_302 = tpu.vector_load %arg8[%get3A_301] {strides = array<i32>} : memref<4096xf32, #tpu.memory_space<vmem>>, vector<16xf32>,
    %add3A_303 = arith.addf %add3A_300, %get3A_302 : vector<16xf32>
    %get3A_304 = arith.constant 208 : index
    %get3A_305 = tpu.vector_load %arg8[%get3A_304] {strides = array<i32>} : memref<4096xf32, #tpu.memory_space<vmem>>, vector<16xf32>,
    %add3A_306 = arith.addf %add3A_303, %get3A_305 : vector<16xf32>
    %get3A_307 = arith.constant 272 : index
    %get3A_308 = tpu.vector_load %arg8[%get3A_307] {strides = array<i32>} : memref<4096xf32, #tpu.memory_space<vmem>>, vector<16xf32>,
    %add3A_309 = arith.addf %add3A_306, %get3A_308 : vector<16xf32>
    %get3A_310 = arith.constant 336 : index
    %get3A_311 = tpu.vector_load %arg8[%get3A_310] {strides = array<i32>} : memref<4096xf32, #tpu.memory_space<vmem>>, vector<16xf32>,
    %add3A_312 = arith.addf %add3A_309, %get3A_311 : vector<16xf32>
    %get3A_313 = arith.constant 400 : index
    %get3A_314 = tpu.vector_load %arg8[%get3A_313] {strides = array<i32>} : memref<4096xf32, #tpu.memory_space<vmem>>, vector<16xf32>,
    %add3A_315 = arith.addf %add3A_312, %get3A_314 : vector<16xf32>
    %get3A_316 = arith.constant 464 : index
    %get3A_317 = tpu.vector_load %arg8[%get3A_316] {strides = array<i32>} : memref<4096xf32, #tpu.memory_space<vmem>>, vector<16xf32>,
    %add3A_318 = arith.addf %add3A_315, %get3A_317 : vector<16xf32>
    %get3A_319 = arith.constant 528 : index
    %get3A_320 = tpu.vector_load %arg8[%get3A_319] {strides = array<i32>} : memref<4096xf32, #tpu.memory_space<vmem>>, vector<16xf32>,
    %add3A_321 = arith.addf %add3A_318, %get3A_320 : vector<16xf32>
    %get3A_322 = arith.constant 592 : index
    %get3A_323 = tpu.vector_load %arg8[%get3A_322] {strides = array<i32>} : memref<4096xf32, #tpu.memory_space<vmem>>, vector<16xf32>,
    %add3A_324 = arith.addf %add3A_321, %get3A_323 : vector<16xf32>
    %get3A_325 = arith.constant 656 : index
    %get3A_326 = tpu.vector_load %arg8[%get3A_325] {strides = array<i32>} : memref<4096xf32, #tpu.memory_space<vmem>>, vector<16xf32>,
    %add3A_327 = arith.addf %add3A_324, %get3A_326 : vector<16xf32>
    %get3A_328 = arith.constant 720 : index
    %get3A_329 = tpu.vector_load %arg8[%get3A_328] {strides = array<i32>} : memref<4096xf32, #tpu.memory_space<vmem>>, vector<16xf32>,
    %add3A_330 = arith.addf %add3A_327, %get3A_329 : vector<16xf32>
    %get3A_331 = arith.constant 784 : index
    %get3A_332 = tpu.vector_load %arg8[%get3A_331] {strides = array<i32>} : memref<4096xf32, #tpu.memory_space<vmem>>, vector<16xf32>,
    %add3A_333 = arith.addf %add3A_330, %get3A_332 : vector<16xf32>
    %get3A_334 = arith.constant 848 : index
    %get3A_335 = tpu.vector_load %arg8[%get3A_334] {strides = array<i32>} : memref<4096xf32, #tpu.memory_space<vmem>>, vector<16xf32>,
    %add3A_336 = arith.addf %add3A_333, %get3A_335 : vector<16xf32>
    %get3A_337 = arith.constant 912 : index
    %get3A_338 = tpu.vector_load %arg8[%get3A_337] {strides = array<i32>} : memref<4096xf32, #tpu.memory_space<vmem>>, vector<16xf32>,
    %add3A_339 = arith.addf %add3A_336, %get3A_338 : vector<16xf32>
    %get3A_340 = arith.constant 976 : index
    %get3A_341 = tpu.vector_load %arg8[%get3A_340] {strides = array<i32>} : memref<4096xf32, #tpu.memory_space<vmem>>, vector<16xf32>,
    %add3A_342 = arith.addf %add3A_339, %get3A_341 : vector<16xf32>
    %broadcast_in_dim3A_343 = arith.constant 0 : i32
    %broadcast_in_dim3A_344 = vector.broadcast %broadcast_in_dim3A_343 : i32 to vector<16xi32>
    %mul3A_345 = arith.mulf %add3A_342, %div3A_291 : vector<16xf32>
    tpu.vector_store_idx %arg9[%add3A_294, %broadcast_in_dim3A_344], %mul3A_345 : memref<64x3xf32, #tpu.memory_space<vmem>>[vector<16xi32>, vector<16xi32>], vector<16xf32>,
    %get3A_346 = arith.constant 1040 : index
    %get3A_347 = tpu.vector_load %arg8[%get3A_346] {strides = array<i32>} : memref<4096xf32, #tpu.memory_space<vmem>>, vector<16xf32>,
    %add3A_348 = arith.addf %broadcast_in_dim3A_8, %get3A_347 : vector<16xf32>
    %get3A_349 = arith.constant 1104 : index
    %get3A_350 = tpu.vector_load %arg8[%get3A_349] {strides = array<i32>} : memref<4096xf32, #tpu.memory_space<vmem>>, vector<16xf32>,
    %add3A_351 = arith.addf %add3A_348, %get3A_350 : vector<16xf32>
    %get3A_352 = arith.constant 1168 : index
    %get3A_353 = tpu.vector_load %arg8[%get3A_352] {strides = array<i32>} : memref<4096xf32, #tpu.memory_space<vmem>>, vector<16xf32>,
    %add3A_354 = arith.addf %add3A_351, %get3A_353 : vector<16xf32>
    %get3A_355 = arith.constant 1232 : index
    %get3A_356 = tpu.vector_load %arg8[%get3A_355] {strides = array<i32>} : memref<4096xf32, #tpu.memory_space<vmem>>, vector<16xf32>,
    %add3A_357 = arith.addf %add3A_354, %get3A_356 : vector<16xf32>
    %get3A_358 = arith.constant 1296 : index
    %get3A_359 = tpu.vector_load %arg8[%get3A_358] {strides = array<i32>} : memref<4096xf32, #tpu.memory_space<vmem>>, vector<16xf32>,
    %add3A_360 = arith.addf %add3A_357, %get3A_359 : vector<16xf32>
    %get3A_361 = arith.constant 1360 : index
    %get3A_362 = tpu.vector_load %arg8[%get3A_361] {strides = array<i32>} : memref<4096xf32, #tpu.memory_space<vmem>>, vector<16xf32>,
    %add3A_363 = arith.addf %add3A_360, %get3A_362 : vector<16xf32>
    %get3A_364 = arith.constant 1424 : index
    %get3A_365 = tpu.vector_load %arg8[%get3A_364] {strides = array<i32>} : memref<4096xf32, #tpu.memory_space<vmem>>, vector<16xf32>,
    %add3A_366 = arith.addf %add3A_363, %get3A_365 : vector<16xf32>
    %get3A_367 = arith.constant 1488 : index
    %get3A_368 = tpu.vector_load %arg8[%get3A_367] {strides = array<i32>} : memref<4096xf32, #tpu.memory_space<vmem>>, vector<16xf32>,
    %add3A_369 = arith.addf %add3A_366, %get3A_368 : vector<16xf32>
    %get3A_370 = arith.constant 1552 : index
    %get3A_371 = tpu.vector_load %arg8[%get3A_370] {strides = array<i32>} : memref<4096xf32, #tpu.memory_space<vmem>>, vector<16xf32>,
    %add3A_372 = arith.addf %add3A_369, %get3A_371 : vector<16xf32>
    %get3A_373 = arith.constant 1616 : index
    %get3A_374 = tpu.vector_load %arg8[%get3A_373] {strides = array<i32>} : memref<4096xf32, #tpu.memory_space<vmem>>, vector<16xf32>,
    %add3A_375 = arith.addf %add3A_372, %get3A_374 : vector<16xf32>
    %get3A_376 = arith.constant 1680 : index
    %get3A_377 = tpu.vector_load %arg8[%get3A_376] {strides = array<i32>} : memref<4096xf32, #tpu.memory_space<vmem>>, vector<16xf32>,
    %add3A_378 = arith.addf %add3A_375, %get3A_377 : vector<16xf32>
    %get3A_379 = arith.constant 1744 : index
    %get3A_380 = tpu.vector_load %arg8[%get3A_379] {strides = array<i32>} : memref<4096xf32, #tpu.memory_space<vmem>>, vector<16xf32>,
    %add3A_381 = arith.addf %add3A_378, %get3A_380 : vector<16xf32>
    %get3A_382 = arith.constant 1808 : index
    %get3A_383 = tpu.vector_load %arg8[%get3A_382] {strides = array<i32>} : memref<4096xf32, #tpu.memory_space<vmem>>, vector<16xf32>,
    %add3A_384 = arith.addf %add3A_381, %get3A_383 : vector<16xf32>
    %get3A_385 = arith.constant 1872 : index
    %get3A_386 = tpu.vector_load %arg8[%get3A_385] {strides = array<i32>} : memref<4096xf32, #tpu.memory_space<vmem>>, vector<16xf32>,
    %add3A_387 = arith.addf %add3A_384, %get3A_386 : vector<16xf32>
    %get3A_388 = arith.constant 1936 : index
    %get3A_389 = tpu.vector_load %arg8[%get3A_388] {strides = array<i32>} : memref<4096xf32, #tpu.memory_space<vmem>>, vector<16xf32>,
    %add3A_390 = arith.addf %add3A_387, %get3A_389 : vector<16xf32>
    %get3A_391 = arith.constant 2000 : index
    %get3A_392 = tpu.vector_load %arg8[%get3A_391] {strides = array<i32>} : memref<4096xf32, #tpu.memory_space<vmem>>, vector<16xf32>,
    %add3A_393 = arith.addf %add3A_390, %get3A_392 : vector<16xf32>
    %broadcast_in_dim3A_394 = arith.constant 1 : i32
    %broadcast_in_dim3A_395 = vector.broadcast %broadcast_in_dim3A_394 : i32 to vector<16xi32>
    %mul3A_396 = arith.mulf %add3A_393, %div3A_291 : vector<16xf32>
    tpu.vector_store_idx %arg9[%add3A_294, %broadcast_in_dim3A_395], %mul3A_396 : memref<64x3xf32, #tpu.memory_space<vmem>>[vector<16xi32>, vector<16xi32>], vector<16xf32>,
    %get3A_397 = arith.constant 2064 : index
    %get3A_398 = tpu.vector_load %arg8[%get3A_397] {strides = array<i32>} : memref<4096xf32, #tpu.memory_space<vmem>>, vector<16xf32>,
    %add3A_399 = arith.addf %broadcast_in_dim3A_8, %get3A_398 : vector<16xf32>
    %get3A_400 = arith.constant 2128 : index
    %get3A_401 = tpu.vector_load %arg8[%get3A_400] {strides = array<i32>} : memref<4096xf32, #tpu.memory_space<vmem>>, vector<16xf32>,
    %add3A_402 = arith.addf %add3A_399, %get3A_401 : vector<16xf32>
    %get3A_403 = arith.constant 2192 : index
    %get3A_404 = tpu.vector_load %arg8[%get3A_403] {strides = array<i32>} : memref<4096xf32, #tpu.memory_space<vmem>>, vector<16xf32>,
    %add3A_405 = arith.addf %add3A_402, %get3A_404 : vector<16xf32>
    %get3A_406 = arith.constant 2256 : index
    %get3A_407 = tpu.vector_load %arg8[%get3A_406] {strides = array<i32>} : memref<4096xf32, #tpu.memory_space<vmem>>, vector<16xf32>,
    %add3A_408 = arith.addf %add3A_405, %get3A_407 : vector<16xf32>
    %get3A_409 = arith.constant 2320 : index
    %get3A_410 = tpu.vector_load %arg8[%get3A_409] {strides = array<i32>} : memref<4096xf32, #tpu.memory_space<vmem>>, vector<16xf32>,
    %add3A_411 = arith.addf %add3A_408, %get3A_410 : vector<16xf32>
    %get3A_412 = arith.constant 2384 : index
    %get3A_413 = tpu.vector_load %arg8[%get3A_412] {strides = array<i32>} : memref<4096xf32, #tpu.memory_space<vmem>>, vector<16xf32>,
    %add3A_414 = arith.addf %add3A_411, %get3A_413 : vector<16xf32>
    %get3A_415 = arith.constant 2448 : index
    %get3A_416 = tpu.vector_load %arg8[%get3A_415] {strides = array<i32>} : memref<4096xf32, #tpu.memory_space<vmem>>, vector<16xf32>,
    %add3A_417 = arith.addf %add3A_414, %get3A_416 : vector<16xf32>
    %get3A_418 = arith.constant 2512 : index
    %get3A_419 = tpu.vector_load %arg8[%get3A_418] {strides = array<i32>} : memref<4096xf32, #tpu.memory_space<vmem>>, vector<16xf32>,
    %add3A_420 = arith.addf %add3A_417, %get3A_419 : vector<16xf32>
    %get3A_421 = arith.constant 2576 : index
    %get3A_422 = tpu.vector_load %arg8[%get3A_421] {strides = array<i32>} : memref<4096xf32, #tpu.memory_space<vmem>>, vector<16xf32>,
    %add3A_423 = arith.addf %add3A_420, %get3A_422 : vector<16xf32>
    %get3A_424 = arith.constant 2640 : index
    %get3A_425 = tpu.vector_load %arg8[%get3A_424] {strides = array<i32>} : memref<4096xf32, #tpu.memory_space<vmem>>, vector<16xf32>,
    %add3A_426 = arith.addf %add3A_423, %get3A_425 : vector<16xf32>
    %get3A_427 = arith.constant 2704 : index
    %get3A_428 = tpu.vector_load %arg8[%get3A_427] {strides = array<i32>} : memref<4096xf32, #tpu.memory_space<vmem>>, vector<16xf32>,
    %add3A_429 = arith.addf %add3A_426, %get3A_428 : vector<16xf32>
    %get3A_430 = arith.constant 2768 : index
    %get3A_431 = tpu.vector_load %arg8[%get3A_430] {strides = array<i32>} : memref<4096xf32, #tpu.memory_space<vmem>>, vector<16xf32>,
    %add3A_432 = arith.addf %add3A_429, %get3A_431 : vector<16xf32>
    %get3A_433 = arith.constant 2832 : index
    %get3A_434 = tpu.vector_load %arg8[%get3A_433] {strides = array<i32>} : memref<4096xf32, #tpu.memory_space<vmem>>, vector<16xf32>,
    %add3A_435 = arith.addf %add3A_432, %get3A_434 : vector<16xf32>
    %get3A_436 = arith.constant 2896 : index
    %get3A_437 = tpu.vector_load %arg8[%get3A_436] {strides = array<i32>} : memref<4096xf32, #tpu.memory_space<vmem>>, vector<16xf32>,
    %add3A_438 = arith.addf %add3A_435, %get3A_437 : vector<16xf32>
    %get3A_439 = arith.constant 2960 : index
    %get3A_440 = tpu.vector_load %arg8[%get3A_439] {strides = array<i32>} : memref<4096xf32, #tpu.memory_space<vmem>>, vector<16xf32>,
    %add3A_441 = arith.addf %add3A_438, %get3A_440 : vector<16xf32>
    %get3A_442 = arith.constant 3024 : index
    %get3A_443 = tpu.vector_load %arg8[%get3A_442] {strides = array<i32>} : memref<4096xf32, #tpu.memory_space<vmem>>, vector<16xf32>,
    %add3A_444 = arith.addf %add3A_441, %get3A_443 : vector<16xf32>
    %broadcast_in_dim3A_445 = arith.constant 2 : i32
    %broadcast_in_dim3A_446 = vector.broadcast %broadcast_in_dim3A_445 : i32 to vector<16xi32>
    %mul3A_447 = arith.mulf %add3A_444, %div3A_291 : vector<16xf32>
    tpu.vector_store_idx %arg9[%add3A_294, %broadcast_in_dim3A_446], %mul3A_447 : memref<64x3xf32, #tpu.memory_space<vmem>>[vector<16xi32>, vector<16xi32>], vector<16xf32>,
    %get3A_448 = arith.constant 3104 : index
    %get3A_449 = tpu.vector_load %arg8[%get3A_448] {strides = array<i32>} : memref<4096xf32, #tpu.memory_space<vmem>>, vector<16xf32>,
    %add3A_450 = arith.addf %broadcast_in_dim3A_8, %get3A_449 : vector<16xf32>
    %get3A_451 = arith.constant 3168 : index
    %get3A_452 = tpu.vector_load %arg8[%get3A_451] {strides = array<i32>} : memref<4096xf32, #tpu.memory_space<vmem>>, vector<16xf32>,
    %add3A_453 = arith.addf %add3A_450, %get3A_452 : vector<16xf32>
    %get3A_454 = arith.constant 3232 : index
    %get3A_455 = tpu.vector_load %arg8[%get3A_454] {strides = array<i32>} : memref<4096xf32, #tpu.memory_space<vmem>>, vector<16xf32>,
    %add3A_456 = arith.addf %add3A_453, %get3A_455 : vector<16xf32>
    %get3A_457 = arith.constant 3296 : index
    %get3A_458 = tpu.vector_load %arg8[%get3A_457] {strides = array<i32>} : memref<4096xf32, #tpu.memory_space<vmem>>, vector<16xf32>,
    %add3A_459 = arith.addf %add3A_456, %get3A_458 : vector<16xf32>
    %get3A_460 = arith.constant 3360 : index
    %get3A_461 = tpu.vector_load %arg8[%get3A_460] {strides = array<i32>} : memref<4096xf32, #tpu.memory_space<vmem>>, vector<16xf32>,
    %add3A_462 = arith.addf %add3A_459, %get3A_461 : vector<16xf32>
    %get3A_463 = arith.constant 3424 : index
    %get3A_464 = tpu.vector_load %arg8[%get3A_463] {strides = array<i32>} : memref<4096xf32, #tpu.memory_space<vmem>>, vector<16xf32>,
    %add3A_465 = arith.addf %add3A_462, %get3A_464 : vector<16xf32>
    %get3A_466 = arith.constant 3488 : index
    %get3A_467 = tpu.vector_load %arg8[%get3A_466] {strides = array<i32>} : memref<4096xf32, #tpu.memory_space<vmem>>, vector<16xf32>,
    %add3A_468 = arith.addf %add3A_465, %get3A_467 : vector<16xf32>
    %get3A_469 = arith.constant 3552 : index
    %get3A_470 = tpu.vector_load %arg8[%get3A_469] {strides = array<i32>} : memref<4096xf32, #tpu.memory_space<vmem>>, vector<16xf32>,
    %add3A_471 = arith.addf %add3A_468, %get3A_470 : vector<16xf32>
    %get3A_472 = arith.constant 3616 : index
    %get3A_473 = tpu.vector_load %arg8[%get3A_472] {strides = array<i32>} : memref<4096xf32, #tpu.memory_space<vmem>>, vector<16xf32>,
    %add3A_474 = arith.addf %add3A_471, %get3A_473 : vector<16xf32>
    %get3A_475 = arith.constant 3680 : index
    %get3A_476 = tpu.vector_load %arg8[%get3A_475] {strides = array<i32>} : memref<4096xf32, #tpu.memory_space<vmem>>, vector<16xf32>,
    %add3A_477 = arith.addf %add3A_474, %get3A_476 : vector<16xf32>
    %get3A_478 = arith.constant 3744 : index
    %get3A_479 = tpu.vector_load %arg8[%get3A_478] {strides = array<i32>} : memref<4096xf32, #tpu.memory_space<vmem>>, vector<16xf32>,
    %add3A_480 = arith.addf %add3A_477, %get3A_479 : vector<16xf32>
    %get3A_481 = arith.constant 3808 : index
    %get3A_482 = tpu.vector_load %arg8[%get3A_481] {strides = array<i32>} : memref<4096xf32, #tpu.memory_space<vmem>>, vector<16xf32>,
    %add3A_483 = arith.addf %add3A_480, %get3A_482 : vector<16xf32>
    %get3A_484 = arith.constant 3872 : index
    %get3A_485 = tpu.vector_load %arg8[%get3A_484] {strides = array<i32>} : memref<4096xf32, #tpu.memory_space<vmem>>, vector<16xf32>,
    %add3A_486 = arith.addf %add3A_483, %get3A_485 : vector<16xf32>
    %get3A_487 = arith.constant 3936 : index
    %get3A_488 = tpu.vector_load %arg8[%get3A_487] {strides = array<i32>} : memref<4096xf32, #tpu.memory_space<vmem>>, vector<16xf32>,
    %add3A_489 = arith.addf %add3A_486, %get3A_488 : vector<16xf32>
    %get3A_490 = arith.constant 4000 : index
    %get3A_491 = tpu.vector_load %arg8[%get3A_490] {strides = array<i32>} : memref<4096xf32, #tpu.memory_space<vmem>>, vector<16xf32>,
    %add3A_492 = arith.addf %add3A_489, %get3A_491 : vector<16xf32>
    %get3A_493 = arith.constant 4064 : index
    %get3A_494 = tpu.vector_load %arg8[%get3A_493] {strides = array<i32>} : memref<4096xf32, #tpu.memory_space<vmem>>, vector<16xf32>,
    %add3A_495 = arith.addf %add3A_492, %get3A_494 : vector<16xf32>
    %max3A_496 = arith.constant 1.000000e+00 : f32
    %max3A_497 = vector.broadcast %max3A_496 : f32 to vector<16xf32>
    %max3A_498 = arith.maximumf %add3A_495, %max3A_497 : vector<16xf32>
    %div3A_499 = arith.constant 1.000000e+00 : f32
    %div3A_500 = vector.broadcast %div3A_499 : f32 to vector<16xf32>
    %div3A_501 = arith.divf %div3A_500, %max3A_498 : vector<16xf32>
    %add3A_502 = arith.constant 32 : i32
    %add3A_503 = vector.broadcast %add3A_502 : i32 to vector<16xi32>
    %add3A_504 = arith.addi %add3A_503, %iota3A : vector<16xi32>
    %get3A_505 = arith.constant 32 : index
    %get3A_506 = tpu.vector_load %arg8[%get3A_505] {strides = array<i32>} : memref<4096xf32, #tpu.memory_space<vmem>>, vector<16xf32>,
    %add3A_507 = arith.addf %broadcast_in_dim3A_8, %get3A_506 : vector<16xf32>
    %get3A_508 = arith.constant 96 : index
    %get3A_509 = tpu.vector_load %arg8[%get3A_508] {strides = array<i32>} : memref<4096xf32, #tpu.memory_space<vmem>>, vector<16xf32>,
    %add3A_510 = arith.addf %add3A_507, %get3A_509 : vector<16xf32>
    %get3A_511 = arith.constant 160 : index
    %get3A_512 = tpu.vector_load %arg8[%get3A_511] {strides = array<i32>} : memref<4096xf32, #tpu.memory_space<vmem>>, vector<16xf32>,
    %add3A_513 = arith.addf %add3A_510, %get3A_512 : vector<16xf32>
    %get3A_514 = arith.constant 224 : index
    %get3A_515 = tpu.vector_load %arg8[%get3A_514] {strides = array<i32>} : memref<4096xf32, #tpu.memory_space<vmem>>, vector<16xf32>,
    %add3A_516 = arith.addf %add3A_513, %get3A_515 : vector<16xf32>
    %get3A_517 = arith.constant 288 : index
    %get3A_518 = tpu.vector_load %arg8[%get3A_517] {strides = array<i32>} : memref<4096xf32, #tpu.memory_space<vmem>>, vector<16xf32>,
    %add3A_519 = arith.addf %add3A_516, %get3A_518 : vector<16xf32>
    %get3A_520 = arith.constant 352 : index
    %get3A_521 = tpu.vector_load %arg8[%get3A_520] {strides = array<i32>} : memref<4096xf32, #tpu.memory_space<vmem>>, vector<16xf32>,
    %add3A_522 = arith.addf %add3A_519, %get3A_521 : vector<16xf32>
    %get3A_523 = arith.constant 416 : index
    %get3A_524 = tpu.vector_load %arg8[%get3A_523] {strides = array<i32>} : memref<4096xf32, #tpu.memory_space<vmem>>, vector<16xf32>,
    %add3A_525 = arith.addf %add3A_522, %get3A_524 : vector<16xf32>
    %get3A_526 = arith.constant 480 : index
    %get3A_527 = tpu.vector_load %arg8[%get3A_526] {strides = array<i32>} : memref<4096xf32, #tpu.memory_space<vmem>>, vector<16xf32>,
    %add3A_528 = arith.addf %add3A_525, %get3A_527 : vector<16xf32>
    %get3A_529 = arith.constant 544 : index
    %get3A_530 = tpu.vector_load %arg8[%get3A_529] {strides = array<i32>} : memref<4096xf32, #tpu.memory_space<vmem>>, vector<16xf32>,
    %add3A_531 = arith.addf %add3A_528, %get3A_530 : vector<16xf32>
    %get3A_532 = arith.constant 608 : index
    %get3A_533 = tpu.vector_load %arg8[%get3A_532] {strides = array<i32>} : memref<4096xf32, #tpu.memory_space<vmem>>, vector<16xf32>,
    %add3A_534 = arith.addf %add3A_531, %get3A_533 : vector<16xf32>
    %get3A_535 = arith.constant 672 : index
    %get3A_536 = tpu.vector_load %arg8[%get3A_535] {strides = array<i32>} : memref<4096xf32, #tpu.memory_space<vmem>>, vector<16xf32>,
    %add3A_537 = arith.addf %add3A_534, %get3A_536 : vector<16xf32>
    %get3A_538 = arith.constant 736 : index
    %get3A_539 = tpu.vector_load %arg8[%get3A_538] {strides = array<i32>} : memref<4096xf32, #tpu.memory_space<vmem>>, vector<16xf32>,
    %add3A_540 = arith.addf %add3A_537, %get3A_539 : vector<16xf32>
    %get3A_541 = arith.constant 800 : index
    %get3A_542 = tpu.vector_load %arg8[%get3A_541] {strides = array<i32>} : memref<4096xf32, #tpu.memory_space<vmem>>, vector<16xf32>,
    %add3A_543 = arith.addf %add3A_540, %get3A_542 : vector<16xf32>
    %get3A_544 = arith.constant 864 : index
    %get3A_545 = tpu.vector_load %arg8[%get3A_544] {strides = array<i32>} : memref<4096xf32, #tpu.memory_space<vmem>>, vector<16xf32>,
    %add3A_546 = arith.addf %add3A_543, %get3A_545 : vector<16xf32>
    %get3A_547 = arith.constant 928 : index
    %get3A_548 = tpu.vector_load %arg8[%get3A_547] {strides = array<i32>} : memref<4096xf32, #tpu.memory_space<vmem>>, vector<16xf32>,
    %add3A_549 = arith.addf %add3A_546, %get3A_548 : vector<16xf32>
    %get3A_550 = arith.constant 992 : index
    %get3A_551 = tpu.vector_load %arg8[%get3A_550] {strides = array<i32>} : memref<4096xf32, #tpu.memory_space<vmem>>, vector<16xf32>,
    %add3A_552 = arith.addf %add3A_549, %get3A_551 : vector<16xf32>
    %broadcast_in_dim3A_553 = arith.constant 0 : i32
    %broadcast_in_dim3A_554 = vector.broadcast %broadcast_in_dim3A_553 : i32 to vector<16xi32>
    %mul3A_555 = arith.mulf %add3A_552, %div3A_501 : vector<16xf32>
    tpu.vector_store_idx %arg9[%add3A_504, %broadcast_in_dim3A_554], %mul3A_555 : memref<64x3xf32, #tpu.memory_space<vmem>>[vector<16xi32>, vector<16xi32>], vector<16xf32>,
    %get3A_556 = arith.constant 1056 : index
    %get3A_557 = tpu.vector_load %arg8[%get3A_556] {strides = array<i32>} : memref<4096xf32, #tpu.memory_space<vmem>>, vector<16xf32>,
    %add3A_558 = arith.addf %broadcast_in_dim3A_8, %get3A_557 : vector<16xf32>
    %get3A_559 = arith.constant 1120 : index
    %get3A_560 = tpu.vector_load %arg8[%get3A_559] {strides = array<i32>} : memref<4096xf32, #tpu.memory_space<vmem>>, vector<16xf32>,
    %add3A_561 = arith.addf %add3A_558, %get3A_560 : vector<16xf32>
    %get3A_562 = arith.constant 1184 : index
    %get3A_563 = tpu.vector_load %arg8[%get3A_562] {strides = array<i32>} : memref<4096xf32, #tpu.memory_space<vmem>>, vector<16xf32>,
    %add3A_564 = arith.addf %add3A_561, %get3A_563 : vector<16xf32>
    %get3A_565 = arith.constant 1248 : index
    %get3A_566 = tpu.vector_load %arg8[%get3A_565] {strides = array<i32>} : memref<4096xf32, #tpu.memory_space<vmem>>, vector<16xf32>,
    %add3A_567 = arith.addf %add3A_564, %get3A_566 : vector<16xf32>
    %get3A_568 = arith.constant 1312 : index
    %get3A_569 = tpu.vector_load %arg8[%get3A_568] {strides = array<i32>} : memref<4096xf32, #tpu.memory_space<vmem>>, vector<16xf32>,
    %add3A_570 = arith.addf %add3A_567, %get3A_569 : vector<16xf32>
    %get3A_571 = arith.constant 1376 : index
    %get3A_572 = tpu.vector_load %arg8[%get3A_571] {strides = array<i32>} : memref<4096xf32, #tpu.memory_space<vmem>>, vector<16xf32>,
    %add3A_573 = arith.addf %add3A_570, %get3A_572 : vector<16xf32>
    %get3A_574 = arith.constant 1440 : index
    %get3A_575 = tpu.vector_load %arg8[%get3A_574] {strides = array<i32>} : memref<4096xf32, #tpu.memory_space<vmem>>, vector<16xf32>,
    %add3A_576 = arith.addf %add3A_573, %get3A_575 : vector<16xf32>
    %get3A_577 = arith.constant 1504 : index
    %get3A_578 = tpu.vector_load %arg8[%get3A_577] {strides = array<i32>} : memref<4096xf32, #tpu.memory_space<vmem>>, vector<16xf32>,
    %add3A_579 = arith.addf %add3A_576, %get3A_578 : vector<16xf32>
    %get3A_580 = arith.constant 1568 : index
    %get3A_581 = tpu.vector_load %arg8[%get3A_580] {strides = array<i32>} : memref<4096xf32, #tpu.memory_space<vmem>>, vector<16xf32>,
    %add3A_582 = arith.addf %add3A_579, %get3A_581 : vector<16xf32>
    %get3A_583 = arith.constant 1632 : index
    %get3A_584 = tpu.vector_load %arg8[%get3A_583] {strides = array<i32>} : memref<4096xf32, #tpu.memory_space<vmem>>, vector<16xf32>,
    %add3A_585 = arith.addf %add3A_582, %get3A_584 : vector<16xf32>
    %get3A_586 = arith.constant 1696 : index
    %get3A_587 = tpu.vector_load %arg8[%get3A_586] {strides = array<i32>} : memref<4096xf32, #tpu.memory_space<vmem>>, vector<16xf32>,
    %add3A_588 = arith.addf %add3A_585, %get3A_587 : vector<16xf32>
    %get3A_589 = arith.constant 1760 : index
    %get3A_590 = tpu.vector_load %arg8[%get3A_589] {strides = array<i32>} : memref<4096xf32, #tpu.memory_space<vmem>>, vector<16xf32>,
    %add3A_591 = arith.addf %add3A_588, %get3A_590 : vector<16xf32>
    %get3A_592 = arith.constant 1824 : index
    %get3A_593 = tpu.vector_load %arg8[%get3A_592] {strides = array<i32>} : memref<4096xf32, #tpu.memory_space<vmem>>, vector<16xf32>,
    %add3A_594 = arith.addf %add3A_591, %get3A_593 : vector<16xf32>
    %get3A_595 = arith.constant 1888 : index
    %get3A_596 = tpu.vector_load %arg8[%get3A_595] {strides = array<i32>} : memref<4096xf32, #tpu.memory_space<vmem>>, vector<16xf32>,
    %add3A_597 = arith.addf %add3A_594, %get3A_596 : vector<16xf32>
    %get3A_598 = arith.constant 1952 : index
    %get3A_599 = tpu.vector_load %arg8[%get3A_598] {strides = array<i32>} : memref<4096xf32, #tpu.memory_space<vmem>>, vector<16xf32>,
    %add3A_600 = arith.addf %add3A_597, %get3A_599 : vector<16xf32>
    %get3A_601 = arith.constant 2016 : index
    %get3A_602 = tpu.vector_load %arg8[%get3A_601] {strides = array<i32>} : memref<4096xf32, #tpu.memory_space<vmem>>, vector<16xf32>,
    %add3A_603 = arith.addf %add3A_600, %get3A_602 : vector<16xf32>
    %broadcast_in_dim3A_604 = arith.constant 1 : i32
    %broadcast_in_dim3A_605 = vector.broadcast %broadcast_in_dim3A_604 : i32 to vector<16xi32>
    %mul3A_606 = arith.mulf %add3A_603, %div3A_501 : vector<16xf32>
    tpu.vector_store_idx %arg9[%add3A_504, %broadcast_in_dim3A_605], %mul3A_606 : memref<64x3xf32, #tpu.memory_space<vmem>>[vector<16xi32>, vector<16xi32>], vector<16xf32>,
    %get3A_607 = arith.constant 2080 : index
    %get3A_608 = tpu.vector_load %arg8[%get3A_607] {strides = array<i32>} : memref<4096xf32, #tpu.memory_space<vmem>>, vector<16xf32>,
    %add3A_609 = arith.addf %broadcast_in_dim3A_8, %get3A_608 : vector<16xf32>
    %get3A_610 = arith.constant 2144 : index
    %get3A_611 = tpu.vector_load %arg8[%get3A_610] {strides = array<i32>} : memref<4096xf32, #tpu.memory_space<vmem>>, vector<16xf32>,
    %add3A_612 = arith.addf %add3A_609, %get3A_611 : vector<16xf32>
    %get3A_613 = arith.constant 2208 : index
    %get3A_614 = tpu.vector_load %arg8[%get3A_613] {strides = array<i32>} : memref<4096xf32, #tpu.memory_space<vmem>>, vector<16xf32>,
    %add3A_615 = arith.addf %add3A_612, %get3A_614 : vector<16xf32>
    %get3A_616 = arith.constant 2272 : index
    %get3A_617 = tpu.vector_load %arg8[%get3A_616] {strides = array<i32>} : memref<4096xf32, #tpu.memory_space<vmem>>, vector<16xf32>,
    %add3A_618 = arith.addf %add3A_615, %get3A_617 : vector<16xf32>
    %get3A_619 = arith.constant 2336 : index
    %get3A_620 = tpu.vector_load %arg8[%get3A_619] {strides = array<i32>} : memref<4096xf32, #tpu.memory_space<vmem>>, vector<16xf32>,
    %add3A_621 = arith.addf %add3A_618, %get3A_620 : vector<16xf32>
    %get3A_622 = arith.constant 2400 : index
    %get3A_623 = tpu.vector_load %arg8[%get3A_622] {strides = array<i32>} : memref<4096xf32, #tpu.memory_space<vmem>>, vector<16xf32>,
    %add3A_624 = arith.addf %add3A_621, %get3A_623 : vector<16xf32>
    %get3A_625 = arith.constant 2464 : index
    %get3A_626 = tpu.vector_load %arg8[%get3A_625] {strides = array<i32>} : memref<4096xf32, #tpu.memory_space<vmem>>, vector<16xf32>,
    %add3A_627 = arith.addf %add3A_624, %get3A_626 : vector<16xf32>
    %get3A_628 = arith.constant 2528 : index
    %get3A_629 = tpu.vector_load %arg8[%get3A_628] {strides = array<i32>} : memref<4096xf32, #tpu.memory_space<vmem>>, vector<16xf32>,
    %add3A_630 = arith.addf %add3A_627, %get3A_629 : vector<16xf32>
    %get3A_631 = arith.constant 2592 : index
    %get3A_632 = tpu.vector_load %arg8[%get3A_631] {strides = array<i32>} : memref<4096xf32, #tpu.memory_space<vmem>>, vector<16xf32>,
    %add3A_633 = arith.addf %add3A_630, %get3A_632 : vector<16xf32>
    %get3A_634 = arith.constant 2656 : index
    %get3A_635 = tpu.vector_load %arg8[%get3A_634] {strides = array<i32>} : memref<4096xf32, #tpu.memory_space<vmem>>, vector<16xf32>,
    %add3A_636 = arith.addf %add3A_633, %get3A_635 : vector<16xf32>
    %get3A_637 = arith.constant 2720 : index
    %get3A_638 = tpu.vector_load %arg8[%get3A_637] {strides = array<i32>} : memref<4096xf32, #tpu.memory_space<vmem>>, vector<16xf32>,
    %add3A_639 = arith.addf %add3A_636, %get3A_638 : vector<16xf32>
    %get3A_640 = arith.constant 2784 : index
    %get3A_641 = tpu.vector_load %arg8[%get3A_640] {strides = array<i32>} : memref<4096xf32, #tpu.memory_space<vmem>>, vector<16xf32>,
    %add3A_642 = arith.addf %add3A_639, %get3A_641 : vector<16xf32>
    %get3A_643 = arith.constant 2848 : index
    %get3A_644 = tpu.vector_load %arg8[%get3A_643] {strides = array<i32>} : memref<4096xf32, #tpu.memory_space<vmem>>, vector<16xf32>,
    %add3A_645 = arith.addf %add3A_642, %get3A_644 : vector<16xf32>
    %get3A_646 = arith.constant 2912 : index
    %get3A_647 = tpu.vector_load %arg8[%get3A_646] {strides = array<i32>} : memref<4096xf32, #tpu.memory_space<vmem>>, vector<16xf32>,
    %add3A_648 = arith.addf %add3A_645, %get3A_647 : vector<16xf32>
    %get3A_649 = arith.constant 2976 : index
    %get3A_650 = tpu.vector_load %arg8[%get3A_649] {strides = array<i32>} : memref<4096xf32, #tpu.memory_space<vmem>>, vector<16xf32>,
    %add3A_651 = arith.addf %add3A_648, %get3A_650 : vector<16xf32>
    %get3A_652 = arith.constant 3040 : index
    %get3A_653 = tpu.vector_load %arg8[%get3A_652] {strides = array<i32>} : memref<4096xf32, #tpu.memory_space<vmem>>, vector<16xf32>,
    %add3A_654 = arith.addf %add3A_651, %get3A_653 : vector<16xf32>
    %broadcast_in_dim3A_655 = arith.constant 2 : i32
    %broadcast_in_dim3A_656 = vector.broadcast %broadcast_in_dim3A_655 : i32 to vector<16xi32>
    %mul3A_657 = arith.mulf %add3A_654, %div3A_501 : vector<16xf32>
    tpu.vector_store_idx %arg9[%add3A_504, %broadcast_in_dim3A_656], %mul3A_657 : memref<64x3xf32, #tpu.memory_space<vmem>>[vector<16xi32>, vector<16xi32>], vector<16xf32>,
    %get3A_658 = arith.constant 3120 : index
    %get3A_659 = tpu.vector_load %arg8[%get3A_658] {strides = array<i32>} : memref<4096xf32, #tpu.memory_space<vmem>>, vector<16xf32>,
    %add3A_660 = arith.addf %broadcast_in_dim3A_8, %get3A_659 : vector<16xf32>
    %get3A_661 = arith.constant 3184 : index
    %get3A_662 = tpu.vector_load %arg8[%get3A_661] {strides = array<i32>} : memref<4096xf32, #tpu.memory_space<vmem>>, vector<16xf32>,
    %add3A_663 = arith.addf %add3A_660, %get3A_662 : vector<16xf32>
    %get3A_664 = arith.constant 3248 : index
    %get3A_665 = tpu.vector_load %arg8[%get3A_664] {strides = array<i32>} : memref<4096xf32, #tpu.memory_space<vmem>>, vector<16xf32>,
    %add3A_666 = arith.addf %add3A_663, %get3A_665 : vector<16xf32>
    %get3A_667 = arith.constant 3312 : index
    %get3A_668 = tpu.vector_load %arg8[%get3A_667] {strides = array<i32>} : memref<4096xf32, #tpu.memory_space<vmem>>, vector<16xf32>,
    %add3A_669 = arith.addf %add3A_666, %get3A_668 : vector<16xf32>
    %get3A_670 = arith.constant 3376 : index
    %get3A_671 = tpu.vector_load %arg8[%get3A_670] {strides = array<i32>} : memref<4096xf32, #tpu.memory_space<vmem>>, vector<16xf32>,
    %add3A_672 = arith.addf %add3A_669, %get3A_671 : vector<16xf32>
    %get3A_673 = arith.constant 3440 : index
    %get3A_674 = tpu.vector_load %arg8[%get3A_673] {strides = array<i32>} : memref<4096xf32, #tpu.memory_space<vmem>>, vector<16xf32>,
    %add3A_675 = arith.addf %add3A_672, %get3A_674 : vector<16xf32>
    %get3A_676 = arith.constant 3504 : index
    %get3A_677 = tpu.vector_load %arg8[%get3A_676] {strides = array<i32>} : memref<4096xf32, #tpu.memory_space<vmem>>, vector<16xf32>,
    %add3A_678 = arith.addf %add3A_675, %get3A_677 : vector<16xf32>
    %get3A_679 = arith.constant 3568 : index
    %get3A_680 = tpu.vector_load %arg8[%get3A_679] {strides = array<i32>} : memref<4096xf32, #tpu.memory_space<vmem>>, vector<16xf32>,
    %add3A_681 = arith.addf %add3A_678, %get3A_680 : vector<16xf32>
    %get3A_682 = arith.constant 3632 : index
    %get3A_683 = tpu.vector_load %arg8[%get3A_682] {strides = array<i32>} : memref<4096xf32, #tpu.memory_space<vmem>>, vector<16xf32>,
    %add3A_684 = arith.addf %add3A_681, %get3A_683 : vector<16xf32>
    %get3A_685 = arith.constant 3696 : index
    %get3A_686 = tpu.vector_load %arg8[%get3A_685] {strides = array<i32>} : memref<4096xf32, #tpu.memory_space<vmem>>, vector<16xf32>,
    %add3A_687 = arith.addf %add3A_684, %get3A_686 : vector<16xf32>
    %get3A_688 = arith.constant 3760 : index
    %get3A_689 = tpu.vector_load %arg8[%get3A_688] {strides = array<i32>} : memref<4096xf32, #tpu.memory_space<vmem>>, vector<16xf32>,
    %add3A_690 = arith.addf %add3A_687, %get3A_689 : vector<16xf32>
    %get3A_691 = arith.constant 3824 : index
    %get3A_692 = tpu.vector_load %arg8[%get3A_691] {strides = array<i32>} : memref<4096xf32, #tpu.memory_space<vmem>>, vector<16xf32>,
    %add3A_693 = arith.addf %add3A_690, %get3A_692 : vector<16xf32>
    %get3A_694 = arith.constant 3888 : index
    %get3A_695 = tpu.vector_load %arg8[%get3A_694] {strides = array<i32>} : memref<4096xf32, #tpu.memory_space<vmem>>, vector<16xf32>,
    %add3A_696 = arith.addf %add3A_693, %get3A_695 : vector<16xf32>
    %get3A_697 = arith.constant 3952 : index
    %get3A_698 = tpu.vector_load %arg8[%get3A_697] {strides = array<i32>} : memref<4096xf32, #tpu.memory_space<vmem>>, vector<16xf32>,
    %add3A_699 = arith.addf %add3A_696, %get3A_698 : vector<16xf32>
    %get3A_700 = arith.constant 4016 : index
    %get3A_701 = tpu.vector_load %arg8[%get3A_700] {strides = array<i32>} : memref<4096xf32, #tpu.memory_space<vmem>>, vector<16xf32>,
    %add3A_702 = arith.addf %add3A_699, %get3A_701 : vector<16xf32>
    %get3A_703 = arith.constant 4080 : index
    %get3A_704 = tpu.vector_load %arg8[%get3A_703] {strides = array<i32>} : memref<4096xf32, #tpu.memory_space<vmem>>, vector<16xf32>,
    %add3A_705 = arith.addf %add3A_702, %get3A_704 : vector<16xf32>
    %max3A_706 = arith.constant 1.000000e+00 : f32
    %max3A_707 = vector.broadcast %max3A_706 : f32 to vector<16xf32>
    %max3A_708 = arith.maximumf %add3A_705, %max3A_707 : vector<16xf32>
    %div3A_709 = arith.constant 1.000000e+00 : f32
    %div3A_710 = vector.broadcast %div3A_709 : f32 to vector<16xf32>
    %div3A_711 = arith.divf %div3A_710, %max3A_708 : vector<16xf32>
    %add3A_712 = arith.constant 48 : i32
    %add3A_713 = vector.broadcast %add3A_712 : i32 to vector<16xi32>
    %add3A_714 = arith.addi %add3A_713, %iota3A : vector<16xi32>
    %get3A_715 = arith.constant 48 : index
    %get3A_716 = tpu.vector_load %arg8[%get3A_715] {strides = array<i32>} : memref<4096xf32, #tpu.memory_space<vmem>>, vector<16xf32>,
    %add3A_717 = arith.addf %broadcast_in_dim3A_8, %get3A_716 : vector<16xf32>
    %get3A_718 = arith.constant 112 : index
    %get3A_719 = tpu.vector_load %arg8[%get3A_718] {strides = array<i32>} : memref<4096xf32, #tpu.memory_space<vmem>>, vector<16xf32>,
    %add3A_720 = arith.addf %add3A_717, %get3A_719 : vector<16xf32>
    %get3A_721 = arith.constant 176 : index
    %get3A_722 = tpu.vector_load %arg8[%get3A_721] {strides = array<i32>} : memref<4096xf32, #tpu.memory_space<vmem>>, vector<16xf32>,
    %add3A_723 = arith.addf %add3A_720, %get3A_722 : vector<16xf32>
    %get3A_724 = arith.constant 240 : index
    %get3A_725 = tpu.vector_load %arg8[%get3A_724] {strides = array<i32>} : memref<4096xf32, #tpu.memory_space<vmem>>, vector<16xf32>,
    %add3A_726 = arith.addf %add3A_723, %get3A_725 : vector<16xf32>
    %get3A_727 = arith.constant 304 : index
    %get3A_728 = tpu.vector_load %arg8[%get3A_727] {strides = array<i32>} : memref<4096xf32, #tpu.memory_space<vmem>>, vector<16xf32>,
    %add3A_729 = arith.addf %add3A_726, %get3A_728 : vector<16xf32>
    %get3A_730 = arith.constant 368 : index
    %get3A_731 = tpu.vector_load %arg8[%get3A_730] {strides = array<i32>} : memref<4096xf32, #tpu.memory_space<vmem>>, vector<16xf32>,
    %add3A_732 = arith.addf %add3A_729, %get3A_731 : vector<16xf32>
    %get3A_733 = arith.constant 432 : index
    %get3A_734 = tpu.vector_load %arg8[%get3A_733] {strides = array<i32>} : memref<4096xf32, #tpu.memory_space<vmem>>, vector<16xf32>,
    %add3A_735 = arith.addf %add3A_732, %get3A_734 : vector<16xf32>
    %get3A_736 = arith.constant 496 : index
    %get3A_737 = tpu.vector_load %arg8[%get3A_736] {strides = array<i32>} : memref<4096xf32, #tpu.memory_space<vmem>>, vector<16xf32>,
    %add3A_738 = arith.addf %add3A_735, %get3A_737 : vector<16xf32>
    %get3A_739 = arith.constant 560 : index
    %get3A_740 = tpu.vector_load %arg8[%get3A_739] {strides = array<i32>} : memref<4096xf32, #tpu.memory_space<vmem>>, vector<16xf32>,
    %add3A_741 = arith.addf %add3A_738, %get3A_740 : vector<16xf32>
    %get3A_742 = arith.constant 624 : index
    %get3A_743 = tpu.vector_load %arg8[%get3A_742] {strides = array<i32>} : memref<4096xf32, #tpu.memory_space<vmem>>, vector<16xf32>,
    %add3A_744 = arith.addf %add3A_741, %get3A_743 : vector<16xf32>
    %get3A_745 = arith.constant 688 : index
    %get3A_746 = tpu.vector_load %arg8[%get3A_745] {strides = array<i32>} : memref<4096xf32, #tpu.memory_space<vmem>>, vector<16xf32>,
    %add3A_747 = arith.addf %add3A_744, %get3A_746 : vector<16xf32>
    %get3A_748 = arith.constant 752 : index
    %get3A_749 = tpu.vector_load %arg8[%get3A_748] {strides = array<i32>} : memref<4096xf32, #tpu.memory_space<vmem>>, vector<16xf32>,
    %add3A_750 = arith.addf %add3A_747, %get3A_749 : vector<16xf32>
    %get3A_751 = arith.constant 816 : index
    %get3A_752 = tpu.vector_load %arg8[%get3A_751] {strides = array<i32>} : memref<4096xf32, #tpu.memory_space<vmem>>, vector<16xf32>,
    %add3A_753 = arith.addf %add3A_750, %get3A_752 : vector<16xf32>
    %get3A_754 = arith.constant 880 : index
    %get3A_755 = tpu.vector_load %arg8[%get3A_754] {strides = array<i32>} : memref<4096xf32, #tpu.memory_space<vmem>>, vector<16xf32>,
    %add3A_756 = arith.addf %add3A_753, %get3A_755 : vector<16xf32>
    %get3A_757 = arith.constant 944 : index
    %get3A_758 = tpu.vector_load %arg8[%get3A_757] {strides = array<i32>} : memref<4096xf32, #tpu.memory_space<vmem>>, vector<16xf32>,
    %add3A_759 = arith.addf %add3A_756, %get3A_758 : vector<16xf32>
    %get3A_760 = arith.constant 1008 : index
    %get3A_761 = tpu.vector_load %arg8[%get3A_760] {strides = array<i32>} : memref<4096xf32, #tpu.memory_space<vmem>>, vector<16xf32>,
    %add3A_762 = arith.addf %add3A_759, %get3A_761 : vector<16xf32>
    %broadcast_in_dim3A_763 = arith.constant 0 : i32
    %broadcast_in_dim3A_764 = vector.broadcast %broadcast_in_dim3A_763 : i32 to vector<16xi32>
    %mul3A_765 = arith.mulf %add3A_762, %div3A_711 : vector<16xf32>
    tpu.vector_store_idx %arg9[%add3A_714, %broadcast_in_dim3A_764], %mul3A_765 : memref<64x3xf32, #tpu.memory_space<vmem>>[vector<16xi32>, vector<16xi32>], vector<16xf32>,
    %get3A_766 = arith.constant 1072 : index
    %get3A_767 = tpu.vector_load %arg8[%get3A_766] {strides = array<i32>} : memref<4096xf32, #tpu.memory_space<vmem>>, vector<16xf32>,
    %add3A_768 = arith.addf %broadcast_in_dim3A_8, %get3A_767 : vector<16xf32>
    %get3A_769 = arith.constant 1136 : index
    %get3A_770 = tpu.vector_load %arg8[%get3A_769] {strides = array<i32>} : memref<4096xf32, #tpu.memory_space<vmem>>, vector<16xf32>,
    %add3A_771 = arith.addf %add3A_768, %get3A_770 : vector<16xf32>
    %get3A_772 = arith.constant 1200 : index
    %get3A_773 = tpu.vector_load %arg8[%get3A_772] {strides = array<i32>} : memref<4096xf32, #tpu.memory_space<vmem>>, vector<16xf32>,
    %add3A_774 = arith.addf %add3A_771, %get3A_773 : vector<16xf32>
    %get3A_775 = arith.constant 1264 : index
    %get3A_776 = tpu.vector_load %arg8[%get3A_775] {strides = array<i32>} : memref<4096xf32, #tpu.memory_space<vmem>>, vector<16xf32>,
    %add3A_777 = arith.addf %add3A_774, %get3A_776 : vector<16xf32>
    %get3A_778 = arith.constant 1328 : index
    %get3A_779 = tpu.vector_load %arg8[%get3A_778] {strides = array<i32>} : memref<4096xf32, #tpu.memory_space<vmem>>, vector<16xf32>,
    %add3A_780 = arith.addf %add3A_777, %get3A_779 : vector<16xf32>
    %get3A_781 = arith.constant 1392 : index
    %get3A_782 = tpu.vector_load %arg8[%get3A_781] {strides = array<i32>} : memref<4096xf32, #tpu.memory_space<vmem>>, vector<16xf32>,
    %add3A_783 = arith.addf %add3A_780, %get3A_782 : vector<16xf32>
    %get3A_784 = arith.constant 1456 : index
    %get3A_785 = tpu.vector_load %arg8[%get3A_784] {strides = array<i32>} : memref<4096xf32, #tpu.memory_space<vmem>>, vector<16xf32>,
    %add3A_786 = arith.addf %add3A_783, %get3A_785 : vector<16xf32>
    %get3A_787 = arith.constant 1520 : index
    %get3A_788 = tpu.vector_load %arg8[%get3A_787] {strides = array<i32>} : memref<4096xf32, #tpu.memory_space<vmem>>, vector<16xf32>,
    %add3A_789 = arith.addf %add3A_786, %get3A_788 : vector<16xf32>
    %get3A_790 = arith.constant 1584 : index
    %get3A_791 = tpu.vector_load %arg8[%get3A_790] {strides = array<i32>} : memref<4096xf32, #tpu.memory_space<vmem>>, vector<16xf32>,
    %add3A_792 = arith.addf %add3A_789, %get3A_791 : vector<16xf32>
    %get3A_793 = arith.constant 1648 : index
    %get3A_794 = tpu.vector_load %arg8[%get3A_793] {strides = array<i32>} : memref<4096xf32, #tpu.memory_space<vmem>>, vector<16xf32>,
    %add3A_795 = arith.addf %add3A_792, %get3A_794 : vector<16xf32>
    %get3A_796 = arith.constant 1712 : index
    %get3A_797 = tpu.vector_load %arg8[%get3A_796] {strides = array<i32>} : memref<4096xf32, #tpu.memory_space<vmem>>, vector<16xf32>,
    %add3A_798 = arith.addf %add3A_795, %get3A_797 : vector<16xf32>
    %get3A_799 = arith.constant 1776 : index
    %get3A_800 = tpu.vector_load %arg8[%get3A_799] {strides = array<i32>} : memref<4096xf32, #tpu.memory_space<vmem>>, vector<16xf32>,
    %add3A_801 = arith.addf %add3A_798, %get3A_800 : vector<16xf32>
    %get3A_802 = arith.constant 1840 : index
    %get3A_803 = tpu.vector_load %arg8[%get3A_802] {strides = array<i32>} : memref<4096xf32, #tpu.memory_space<vmem>>, vector<16xf32>,
    %add3A_804 = arith.addf %add3A_801, %get3A_803 : vector<16xf32>
    %get3A_805 = arith.constant 1904 : index
    %get3A_806 = tpu.vector_load %arg8[%get3A_805] {strides = array<i32>} : memref<4096xf32, #tpu.memory_space<vmem>>, vector<16xf32>,
    %add3A_807 = arith.addf %add3A_804, %get3A_806 : vector<16xf32>
    %get3A_808 = arith.constant 1968 : index
    %get3A_809 = tpu.vector_load %arg8[%get3A_808] {strides = array<i32>} : memref<4096xf32, #tpu.memory_space<vmem>>, vector<16xf32>,
    %add3A_810 = arith.addf %add3A_807, %get3A_809 : vector<16xf32>
    %get3A_811 = arith.constant 2032 : index
    %get3A_812 = tpu.vector_load %arg8[%get3A_811] {strides = array<i32>} : memref<4096xf32, #tpu.memory_space<vmem>>, vector<16xf32>,
    %add3A_813 = arith.addf %add3A_810, %get3A_812 : vector<16xf32>
    %broadcast_in_dim3A_814 = arith.constant 1 : i32
    %broadcast_in_dim3A_815 = vector.broadcast %broadcast_in_dim3A_814 : i32 to vector<16xi32>
    %mul3A_816 = arith.mulf %add3A_813, %div3A_711 : vector<16xf32>
    tpu.vector_store_idx %arg9[%add3A_714, %broadcast_in_dim3A_815], %mul3A_816 : memref<64x3xf32, #tpu.memory_space<vmem>>[vector<16xi32>, vector<16xi32>], vector<16xf32>,
    %get3A_817 = arith.constant 2096 : index
    %get3A_818 = tpu.vector_load %arg8[%get3A_817] {strides = array<i32>} : memref<4096xf32, #tpu.memory_space<vmem>>, vector<16xf32>,
    %add3A_819 = arith.addf %broadcast_in_dim3A_8, %get3A_818 : vector<16xf32>
    %get3A_820 = arith.constant 2160 : index
    %get3A_821 = tpu.vector_load %arg8[%get3A_820] {strides = array<i32>} : memref<4096xf32, #tpu.memory_space<vmem>>, vector<16xf32>,
    %add3A_822 = arith.addf %add3A_819, %get3A_821 : vector<16xf32>
    %get3A_823 = arith.constant 2224 : index
    %get3A_824 = tpu.vector_load %arg8[%get3A_823] {strides = array<i32>} : memref<4096xf32, #tpu.memory_space<vmem>>, vector<16xf32>,
    %add3A_825 = arith.addf %add3A_822, %get3A_824 : vector<16xf32>
    %get3A_826 = arith.constant 2288 : index
    %get3A_827 = tpu.vector_load %arg8[%get3A_826] {strides = array<i32>} : memref<4096xf32, #tpu.memory_space<vmem>>, vector<16xf32>,
    %add3A_828 = arith.addf %add3A_825, %get3A_827 : vector<16xf32>
    %get3A_829 = arith.constant 2352 : index
    %get3A_830 = tpu.vector_load %arg8[%get3A_829] {strides = array<i32>} : memref<4096xf32, #tpu.memory_space<vmem>>, vector<16xf32>,
    %add3A_831 = arith.addf %add3A_828, %get3A_830 : vector<16xf32>
    %get3A_832 = arith.constant 2416 : index
    %get3A_833 = tpu.vector_load %arg8[%get3A_832] {strides = array<i32>} : memref<4096xf32, #tpu.memory_space<vmem>>, vector<16xf32>,
    %add3A_834 = arith.addf %add3A_831, %get3A_833 : vector<16xf32>
    %get3A_835 = arith.constant 2480 : index
    %get3A_836 = tpu.vector_load %arg8[%get3A_835] {strides = array<i32>} : memref<4096xf32, #tpu.memory_space<vmem>>, vector<16xf32>,
    %add3A_837 = arith.addf %add3A_834, %get3A_836 : vector<16xf32>
    %get3A_838 = arith.constant 2544 : index
    %get3A_839 = tpu.vector_load %arg8[%get3A_838] {strides = array<i32>} : memref<4096xf32, #tpu.memory_space<vmem>>, vector<16xf32>,
    %add3A_840 = arith.addf %add3A_837, %get3A_839 : vector<16xf32>
    %get3A_841 = arith.constant 2608 : index
    %get3A_842 = tpu.vector_load %arg8[%get3A_841] {strides = array<i32>} : memref<4096xf32, #tpu.memory_space<vmem>>, vector<16xf32>,
    %add3A_843 = arith.addf %add3A_840, %get3A_842 : vector<16xf32>
    %get3A_844 = arith.constant 2672 : index
    %get3A_845 = tpu.vector_load %arg8[%get3A_844] {strides = array<i32>} : memref<4096xf32, #tpu.memory_space<vmem>>, vector<16xf32>,
    %add3A_846 = arith.addf %add3A_843, %get3A_845 : vector<16xf32>
    %get3A_847 = arith.constant 2736 : index
    %get3A_848 = tpu.vector_load %arg8[%get3A_847] {strides = array<i32>} : memref<4096xf32, #tpu.memory_space<vmem>>, vector<16xf32>,
    %add3A_849 = arith.addf %add3A_846, %get3A_848 : vector<16xf32>
    %get3A_850 = arith.constant 2800 : index
    %get3A_851 = tpu.vector_load %arg8[%get3A_850] {strides = array<i32>} : memref<4096xf32, #tpu.memory_space<vmem>>, vector<16xf32>,
    %add3A_852 = arith.addf %add3A_849, %get3A_851 : vector<16xf32>
    %get3A_853 = arith.constant 2864 : index
    %get3A_854 = tpu.vector_load %arg8[%get3A_853] {strides = array<i32>} : memref<4096xf32, #tpu.memory_space<vmem>>, vector<16xf32>,
    %add3A_855 = arith.addf %add3A_852, %get3A_854 : vector<16xf32>
    %get3A_856 = arith.constant 2928 : index
    %get3A_857 = tpu.vector_load %arg8[%get3A_856] {strides = array<i32>} : memref<4096xf32, #tpu.memory_space<vmem>>, vector<16xf32>,
    %add3A_858 = arith.addf %add3A_855, %get3A_857 : vector<16xf32>
    %get3A_859 = arith.constant 2992 : index
    %get3A_860 = tpu.vector_load %arg8[%get3A_859] {strides = array<i32>} : memref<4096xf32, #tpu.memory_space<vmem>>, vector<16xf32>,
    %add3A_861 = arith.addf %add3A_858, %get3A_860 : vector<16xf32>
    %get3A_862 = arith.constant 3056 : index
    %get3A_863 = tpu.vector_load %arg8[%get3A_862] {strides = array<i32>} : memref<4096xf32, #tpu.memory_space<vmem>>, vector<16xf32>,
    %add3A_864 = arith.addf %add3A_861, %get3A_863 : vector<16xf32>
    %broadcast_in_dim3A_865 = arith.constant 2 : i32
    %broadcast_in_dim3A_866 = vector.broadcast %broadcast_in_dim3A_865 : i32 to vector<16xi32>
    %mul3A_867 = arith.mulf %add3A_864, %div3A_711 : vector<16xf32>
    tpu.vector_store_idx %arg9[%add3A_714, %broadcast_in_dim3A_866], %mul3A_867 : memref<64x3xf32, #tpu.memory_space<vmem>>[vector<16xi32>, vector<16xi32>], vector<16xf32>,
    "tpu.region"() ({
      %run_scoped3A = tpu.sem_alloc : memref<!tpu.dma_semaphore, #tpu.memory_space<semaphore_mem>>
      %dma_start3A_868 = arith.constant 0 : i32
      %dma_start3A_869 = arith.constant 0 : i32
      %dma_start3A_870 = tpu.memref_slice %arg4[%add3A, %dma_start3A_868, %dma_start3A_869] : memref<32x64x3xf32, #tpu.memory_space<hbm>> -> memref<1x64x3xf32, #tpu.memory_space<hbm>>
      %dma_start3A_871 = tpu.memref_squeeze %dma_start3A_870 : memref<1x64x3xf32, #tpu.memory_space<hbm>> -> memref<64x3xf32, #tpu.memory_space<hbm>>
      %dma_start3A_872 = arith.constant 0 : i32
      %dma_start3A_873 = arith.constant 0 : i32
      %dma_start3A_874 = tpu.memref_slice %arg4[%add3A, %dma_start3A_872, %dma_start3A_873] : memref<32x64x3xf32, #tpu.memory_space<hbm>> -> memref<1x64x3xf32, #tpu.memory_space<hbm>>
      %dma_start3A_875 = tpu.memref_squeeze %dma_start3A_874 : memref<1x64x3xf32, #tpu.memory_space<hbm>> -> memref<64x3xf32, #tpu.memory_space<hbm>>
      tpu.enqueue_dma source(%arg9 : memref<64x3xf32, #tpu.memory_space<vmem>>) target(%dma_start3A_875 : memref<64x3xf32, #tpu.memory_space<hbm>>) target_semaphore(%run_scoped3A : memref<!tpu.dma_semaphore, #tpu.memory_space<semaphore_mem>>)
      %dma_wait3A_876 = arith.constant 0 : i32
      %dma_wait3A_877 = arith.constant 0 : i32
      %dma_wait3A_878 = tpu.memref_slice %arg4[%add3A, %dma_wait3A_876, %dma_wait3A_877] : memref<32x64x3xf32, #tpu.memory_space<hbm>> -> memref<1x64x3xf32, #tpu.memory_space<hbm>>
      %dma_wait3A_879 = tpu.memref_squeeze %dma_wait3A_878 : memref<1x64x3xf32, #tpu.memory_space<hbm>> -> memref<64x3xf32, #tpu.memory_space<hbm>>
      %dma_wait3A_880 = arith.constant 0 : i32
      %dma_wait3A_881 = arith.constant 0 : i32
      %dma_wait3A_882 = tpu.memref_slice %arg4[%add3A, %dma_wait3A_880, %dma_wait3A_881] : memref<32x64x3xf32, #tpu.memory_space<hbm>> -> memref<1x64x3xf32, #tpu.memory_space<hbm>>
      %dma_wait3A_883 = tpu.memref_squeeze %dma_wait3A_882 : memref<1x64x3xf32, #tpu.memory_space<hbm>> -> memref<64x3xf32, #tpu.memory_space<hbm>>
      tpu.wait_dma2 semaphore(%run_scoped3A : memref<!tpu.dma_semaphore, #tpu.memory_space<semaphore_mem>>) src(%arg9 : memref<64x3xf32, #tpu.memory_space<vmem>>) dst(%dma_wait3A_883 : memref<64x3xf32, #tpu.memory_space<hbm>>)
      tpu.yield
    }) : () -> ()
    return
  }
}

module attributes {stable_mosaic.version = 14 : i64} {
  func.func @_gemm_body(%arg0: i32, %arg1: i32, %arg2: memref<32x12288xf32, #tpu.memory_space<vmem>>, %arg3: memref<256x12288xf32, #tpu.memory_space<vmem>>, %arg4: memref<1x256xf32, #tpu.memory_space<vmem>>, %arg5: memref<32x256xf32, #tpu.memory_space<vmem>>) attributes {dimension_semantics = [#tpu.dimension_semantics<arbitrary>, #tpu.dimension_semantics<arbitrary>], iteration_bounds = array<i64: 48, 1>, scalar_prefetch = 0 : i64, scratch_operands = 0 : i64, tpu.core_type = #tpu.core_type<tc>, window_params = [{transform_indices = @transform_0, window_bounds = array<i64: 32, 12288>}, {transform_indices = @transform_1, window_bounds = array<i64: 256, 12288>}, {transform_indices = @transform_2, window_bounds = array<i64: 1, 256>}, {transform_indices = @transform_3, window_bounds = array<i64: 32, 256>}]} {
    %eq3A = arith.constant 0 : i32
    %eq3A_0 = arith.cmpi eq, %arg1, %eq3A : i32
    %convert_element_type3A = arith.extui %eq3A_0 : i1 to i32
    %cond3A = arith.constant 0 : i32
    %cond3A_1 = arith.cmpi ne, %convert_element_type3A, %cond3A : i32
    scf.if %cond3A_1 {
      %get3A_15 = arith.constant 0 : index
      %get3A_16 = arith.constant 0 : index
      %get3A_17 = vector.load %arg4[%get3A_15, %get3A_16] : memref<1x256xf32, #tpu.memory_space<vmem>>, vector<1x256xf32>
      %broadcast_in_dim3A = vector.shape_cast %get3A_17 : vector<1x256xf32> to vector<1x256xf32>
      %broadcast_in_dim3A_18 = vector.broadcast %broadcast_in_dim3A : vector<1x256xf32> to vector<32x256xf32>
      %swap3A_19 = arith.constant 0 : index
      %swap3A_20 = arith.constant 0 : index
      %swap3A_21 = vector.load %arg5[%swap3A_19, %swap3A_20] : memref<32x256xf32, #tpu.memory_space<vmem>>, vector<32x256xf32>
      tpu.vector_store %arg5[%swap3A_19, %swap3A_20], %broadcast_in_dim3A_18 {strides = array<i32>} : memref<32x256xf32, #tpu.memory_space<vmem>>, vector<32x256xf32>,
    } else {
    }
    %get3A = arith.constant 0 : index
    %get3A_2 = arith.constant 0 : index
    %get3A_3 = vector.load %arg5[%get3A, %get3A_2] : memref<32x256xf32, #tpu.memory_space<vmem>>, vector<32x256xf32>
    %get3A_4 = arith.constant 0 : index
    %get3A_5 = arith.constant 0 : index
    %get3A_6 = vector.load %arg2[%get3A_4, %get3A_5] : memref<32x12288xf32, #tpu.memory_space<vmem>>, vector<32x12288xf32>
    %convert_element_type3A_7 = arith.truncf %get3A_6 : vector<32x12288xf32> to vector<32x12288xbf16>
    %get3A_8 = arith.constant 0 : index
    %get3A_9 = arith.constant 0 : index
    %get3A_10 = vector.load %arg3[%get3A_8, %get3A_9] : memref<256x12288xf32, #tpu.memory_space<vmem>>, vector<256x12288xf32>
    %convert_element_type3A_11 = arith.truncf %get3A_10 : vector<256x12288xf32> to vector<256x12288xbf16>
    %dot_general3A = arith.constant dense<0.000000e+00> : vector<32x256xf32>
    %dot_general3A_12 = tpu.matmul %convert_element_type3A_7, %convert_element_type3A_11, %dot_general3A {dimension_numbers = #tpu.dot_dimension_numbers<[1], [1], [0], [0], [0, 0, 1, 0], [], []>, transpose_lhs_hint = false} : vector<32x12288xbf16>, vector<256x12288xbf16>, vector<32x256xf32> -> vector<32x256xf32>
    %add3A = arith.addf %get3A_3, %dot_general3A_12 : vector<32x256xf32>
    %swap3A = arith.constant 0 : index
    %swap3A_13 = arith.constant 0 : index
    %swap3A_14 = vector.load %arg5[%swap3A, %swap3A_13] : memref<32x256xf32, #tpu.memory_space<vmem>>, vector<32x256xf32>
    tpu.vector_store %arg5[%swap3A, %swap3A_13], %add3A {strides = array<i32>} : memref<32x256xf32, #tpu.memory_space<vmem>>, vector<32x256xf32>,
    return
  }
  func.func @transform_0(%arg0: i32, %arg1: i32) -> (i32, i32) {
    %c0_i32 = arith.constant 0 : i32
    %c0_i32_0 = arith.constant 0 : i32
    return %c0_i32, %arg1 : i32, i32
  }
  func.func @transform_1(%arg0: i32, %arg1: i32) -> (i32, i32) {
    %c0_i32 = arith.constant 0 : i32
    return %arg0, %arg1 : i32, i32
  }
  func.func @transform_2(%arg0: i32, %arg1: i32) -> (i32, i32) {
    %c0_i32 = arith.constant 0 : i32
    %c0_i32_0 = arith.constant 0 : i32
    return %c0_i32, %arg0 : i32, i32
  }
  func.func @transform_3(%arg0: i32, %arg1: i32) -> (i32, i32) {
    %c0_i32 = arith.constant 0 : i32
    %c0_i32_0 = arith.constant 0 : i32
    return %c0_i32, %arg0 : i32, i32
  }
}

</mosaic_0001>

<sc_bundles>
// kernel: kernel.4.cloned.1.call-start
scs
__scs_entry_jumppad:
0x0: {  	(pc) =	sbr.rel $0x88, $3  }
0x1: {  	(tag) =	ssettag $0x0;
	lr =	simm.s32 $0x1  }
0x2: {  	[smem:$0x3F9D] =	sst lr;
	_ =	strace $0xD0000000  }
0x3: {  	_ = 	snop  }
0x4: {  	_ = 	snop  }
0x5: {  	_ = 	snop  }
0x6: {  	_ = 	snop  }
0x7: {  	_ = 	snop  }
__scs_overlays_trampoline_lowered:
0x8: {  	[smem:$0x3FAC] =	sst s0  }
0x9: {  	[smem:$0x3FAD] =	sst s1  }
0xa: {  	[smem:$0x3FAE] =	sst s2  }
0xb: {  	[smem:$0x3FAF] =	sst s3  }
0xc: {  	[smem:$0x3FB0] =	sst s4  }
0xd: {  	[smem:$0x3FB1] =	sst s5  }
0xe: {  	[smem:$0x3FB2] =	sst s6  }
0xf: {  	[smem:$0x3FB3] =	sst s7  }
0x10: {  	[smem:$0x3FB4] =	sst s8  }
0x11: {  	[smem:$0x3FB5] =	sst s9;
	s0 =	simm.s32 @!p0 $0x0  }
0x12: {  	s1 =	sld [smem:$0x3F9B];
	s0 =	simm.s32 @p0 $0x1  }
0x13: {  	[smem:$0x3FB6] =	sst s0;
	s0 =	simm.s32 @!p1 $0x0  }
0x14: {  	s2 =	sld [smem:$0x3F9A];
	s0 =	simm.s32 @p1 $0x1  }
0x15: {  	[smem:$0x3FB7] =	sst s0;
	s0 =	simm.s32 @!p2 $0x0  }
0x16: {  	s3 =	sld [smem:$0x3FDB];
	s0 =	simm.s32 @p2 $0x1  }
0x17: {  	s4 =	simm.s32 $0x1BF5;
	[smem:$0x3FB9] =	sst s0  }
0x18: {  	s0 =	sld [smem:$0x3F9C];
	_ =	swait.ge [sflag:s4], $0x0  }
0x19: {  	s7 =	sld [smem:$0x3F9D]  }
0x1a: {  	s8 =	sadd.s32 $0xFFFFE003, lr  }
0x1b: {  	s9 =	sadd.s32 $0xFFFFFEF7, lr;
	s5 =	simm.s32 $0xFFFFFFFF;
	p2 =	slt.u32 s8, $0xFFFFF086  }
0x1c: {  	p1 =	slt.u32 s9, $0xF7A;
	s5 =	simm.s32 @!p2 $0x0  }
0x1d: {  	s5 =	simm.s32 @p1 $0x1;
	p0 =	seq.s32 s7, s2  }
0x1e: {  	s7 =	smul.u32 @!p0 $0xF7A, s2;
	p2 =	seq.s32 @!p0 s5, $0x0  }
0x1f: {  	s9 =	smul.u32 $0xF7A, s1;
	s8 =	simm.s32 @!p0 $0x1BF5;
	p2 =	por !p2, p0  }
0x20: {  	[sflag:s8] =	ssyncset.s32 @!p0 $0xFFFFF086;
	s6 =	sadd.s32 @!p0 s3, s7;
	s7 =	simm.s32 @!p0 $0x108  }
0x21: {  	s3 =	sadd.s32 s3, s9;
	s6 =	sadd.s32 @!p0 $0x88, s6;
	s7 =	simm.s32 @p2 $0x1082  }
0x22: {  	[simem:s7], [sflag:s8] =	dma.local @!p0 [hbm:s6], $0xF7A  }
0x23: {  	s9 =	sor.u32 $0xD0000000, s2;
	s6 =	simm.s32 $0x108;
	_ =	swait.ge @!p0 [sflag:s8], $0x0  }
0x24: {  	s3 =	sadd.s32 $0x88, s3;
	s6 =	simm.s32 @!p1 $0x1082;
	[sflag:s4] =	ssyncset.s32 $0xFFFFF086  }
0x25: {  	[simem:s6], [sflag:s4] =	dma.local [hbm:s3], $0xF7A  }
0x26: {  	[smem:$0x3F9D] =	sst s1;
	(tag) =	ssettag s2;
	_ =	strace s9  }
0x27: {  	s1 =	sld [smem:$0x3FAD]  }
0x28: {  	s2 =	sld [smem:$0x3FAE]  }
0x29: {  	s4 =	sld [smem:$0x3FB0]  }
0x2a: {  	p0 =	seq.s32 s5, $0x0;
	s5 =	sld [smem:$0x3FB1]  }
0x2b: {  	s6 =	sld [smem:$0x3FB2]  }
0x2c: {  	s7 =	sld [smem:$0x3FB3]  }
0x2d: {  	s3 =	simm.s32 $0x108;
	s8 =	sld [smem:$0x3FB4]  }
0x2e: {  	s3 =	simm.s32 @!p0 $0x1082;
	s9 =	sld [smem:$0x3FB5]  }
0x2f: {  	lr =	sadd.s32 s0, s3;
	s0 =	sld [smem:$0x3FAC]  }
0x30: {  	s3 =	sld [smem:$0x3FAF]  }
0x31: {  	[smem:$0x3FB8] =	sst s10  }
0x32: {  	s10 =	sld [smem:$0x3FB6];
	_ =	sdelay $0x3  }
0x33: {  	p0 =	seq.s32 s10, $0x1;
	s10 =	sld [smem:$0x3FB8];
	_ =	sdelay $0x3  }
0x34: {  	[smem:$0x3FB8] =	sst s10  }
0x35: {  	s10 =	sld [smem:$0x3FB7];
	_ =	sdelay $0x3  }
0x36: {  	p1 =	seq.s32 s10, $0x1;
	s10 =	sld [smem:$0x3FB8];
	_ =	sdelay $0x3  }
0x37: {  	[smem:$0x3FB8] =	sst s10  }
0x38: {  	s10 =	sld [smem:$0x3FB9]  }
0x39: {  	_ = 	snop;
	(pc) =	sbr.ind lr, $3  }
0x3a: {  	_ = 	snop  }
0x3b: {  	_ = 	snop  }
0x3c: {  	p2 =	seq.s32 s10, $0x1;
	s10 =	sld [smem:$0x3FB8]  }
0x3d: {  	_ =	shalt  }
0x3e: {  	_ =	shalt  }
0x3f: {  	_ =	shalt  }
0x40: {  	_ =	shalt  }
0x41: {  	_ =	shalt  }
0x42: {  	_ =	shalt  }
0x43: {  	_ =	shalt  }
0x44: {  	_ =	shalt  }
0x45: {  	_ =	shalt  }
0x46: {  	_ =	shalt  }
0x47: {  	_ =	shalt  }
0x48: {  	_ =	shalt  }
0x49: {  	_ =	shalt  }
0x4a: {  	_ =	shalt  }
0x4b: {  	_ =	shalt  }
0x4c: {  	_ =	shalt  }
0x4d: {  	_ =	shalt  }
0x4e: {  	_ =	shalt  }
0x4f: {  	_ =	shalt  }
0x50: {  	_ =	shalt  }
0x51: {  	_ =	shalt  }
0x52: {  	_ =	shalt  }
0x53: {  	_ =	shalt  }
0x54: {  	_ =	shalt  }
0x55: {  	_ =	shalt  }
0x56: {  	_ =	shalt  }
0x57: {  	_ =	shalt  }
0x58: {  	_ =	shalt  }
0x59: {  	_ =	shalt  }
0x5a: {  	_ =	shalt  }
0x5b: {  	_ =	shalt  }
0x5c: {  	_ =	shalt  }
0x5d: {  	_ =	shalt  }
0x5e: {  	_ =	shalt  }
0x5f: {  	_ =	shalt  }
0x60: {  	_ =	shalt  }
0x61: {  	_ =	shalt  }
0x62: {  	_ =	shalt  }
0x63: {  	_ =	shalt  }
0x64: {  	_ =	shalt  }
0x65: {  	_ =	shalt  }
0x66: {  	_ =	shalt  }
0x67: {  	_ =	shalt  }
0x68: {  	_ =	shalt  }
0x69: {  	_ =	shalt  }
0x6a: {  	_ =	shalt  }
0x6b: {  	_ =	shalt  }
0x6c: {  	_ =	shalt  }
0x6d: {  	_ =	shalt  }
0x6e: {  	_ =	shalt  }
0x6f: {  	_ =	shalt  }
0x70: {  	_ =	shalt  }
0x71: {  	_ =	shalt  }
0x72: {  	_ =	shalt  }
0x73: {  	_ =	shalt  }
0x74: {  	_ =	shalt  }
0x75: {  	_ =	shalt  }
0x76: {  	_ =	shalt  }
0x77: {  	_ =	shalt  }
0x78: {  	_ =	shalt  }
0x79: {  	_ =	shalt  }
0x7a: {  	_ =	shalt  }
0x7b: {  	_ =	shalt  }
0x7c: {  	_ =	shalt  }
0x7d: {  	_ =	shalt  }
0x7e: {  	_ =	shalt  }
0x7f: {  	_ =	shalt  }
0x80: {  	_ =	shalt  }
0x81: {  	_ =	shalt  }
0x82: {  	_ =	shalt  }
0x83: {  	_ =	shalt  }
0x84: {  	_ =	shalt  }
0x85: {  	_ =	shalt  }
0x86: {  	_ =	shalt  }
0x87: {  	_ =	shalt  }
.Lfunc_end0:
.L_simem_size_0:
called_computation_lowered:
.L_overlay_start_0:
0x88: {  	s2 =	sld [smem:$0x3FD9]  }
0x89: {  	s3 =	sld [smem:$0x3FFE];
	_ =	sdelay $0x1  }
0x8a: {  	s1 =	srdreg.scid  }
0x8b: {  	s0 =	sand.u32 $0x1, s1  }
0x8c: {  	s17 =	sshll.u32 s0, $0xA;
	s2 =	sadd.s32 s3, s2  }
0x8d: {  	s2 =	sadd.s32 s2, s17  }
0x8e: {  	[smem:$0x3FC4] =	sst s2  }
0x8f: {  	_ = 	snop  }
0x90: {  	s2 =	sld [smem:$0x3FC8];
	(tm) =	ssettm $0x1  }
0x91: {  	s18 =	sld [smem:$0x3FFB];
	_ =	sdelay $0x3  }
0x92: {  	_ =	strace s18  }
0x93: {  	s3 =	sld [smem:$0x3FFC];
	_ =	sdelay $0x3  }
0x94: {  	_ =	strace s3  }
0x95: {  	s3 =	sld [smem:$0x3FFD];
	_ =	sdelay $0x3  }
0x96: {  	_ =	strace s3  }
0x97: {  	_ =	strace $0x8FFFFFFF  }
0x98: {  	s19 =	sld [smem:$0x3FDB];
	_ =	sdelay $0x1  }
0x99: {  	s4 =	simm.s32 $_scs_section_size  }
0x9a: {  	s5 =	simm.s32 $_size__tile_overlayer_lowered;
	s6 =	simm.s32 $_tile_overlayer_lowered  }
0x9b: {  	s22 =	simm.s32 $0x1BFF;
	s21 =	sshll.u32 s6, $0x1;
	s3 =	sadd.s32 s4, s19  }
0x9c: {  	s7 =	simm.s32 $0x0;
	s20 =	sshll.u32 s5, $0x1;
	s5 =	sadd.s32 s21, s3  }
0x9d: {  	[timem:s7], [sflag:s22] =	dma.local [hbm:s5], s20  }
0x9e: {  	_ =	swait.ge [sflag:s22], s20  }
0x9f: {  	s4 =	ssub.s32 $0x0, s20;
	[sflag:s22] =	ssyncset.done $0x0  }
0xa0: {  	[sflag:s22] =	ssyncadd.s32 s4;
	_ =	sdelay $0x1  }
0xa1: {  	s23 =	simm.s32 $0x1B8B  }
0xa2: {  	_ =	swait.ge [sflag:s23], $0x1  }
0xa3: {  	[sflag:s23] =	ssyncset.done $0x0  }
0xa4: {  	s25 =	simm.s32 $0x1B8E;
	s24 =	sld [smem:$0x3FFE];
	[sflag:s23] =	ssyncadd.s32 $0xFFFFFFFF  }
0xa5: {  	s26 =	simm.s32 $execute0_lowered;
	[smem:$0x3FD2] =	sst s25  }
0xa6: {  	s5 =	sshll.u32 s26, $0x1;
	_ =	strace $0x80000046;
	[dreg:$0x1] =	wrdreg $0xFFFFFFFF  }
0xa7: {  	s28 =	simm.s32 $_size_execute0_lowered;
	s3 =	sadd.s32 s3, s5;
	[dreg:$0x0] =	wrdreg $0x0  }
0xa8: {  	s5 =	sshll.u32 s28, $0x1;
	[dreg:$0x2] =	wrdreg s3  }
0xa9: {  	[dreg:$0x3] =	wrdreg s5  }
0xaa: {  	[dreg:$0x4] =	wrdreg $0xC0  }
0xab: {  	_ =	task [dreg:s7], $0x5FFFF  }
0xac: {  	[dreg:$0x1] =	wrdreg $0xFFFFFFFF  }
0xad: {  	[dreg:$0x0] =	wrdreg $0x60  }
0xae: {  	[dreg:$0x2] =	wrdreg s24  }
0xaf: {  	[dreg:$0x3] =	wrdreg s2  }
0xb0: {  	[dreg:$0x4] =	wrdreg $0x9  }
0xb1: {  	_ =	task.clear_ibuf [dreg:s7], $0x5FFFF;
	_ =	strace $0x90000046  }
0xb2: {  	s29 =	simm.s32 $0x9;
	_ =	strace $0x80000048  }
0xb3: {  	_ =	swait.ge [sflag:s29], $0x1  }
0xb4: {  	[sflag:s29] =	ssyncadd.s32 $0xFFFFFFFF  }
0xb5: {  	_ =	strace $0x90000048  }
0xb6: {  	_ =	sfence  }
0xb7: {  	s30 =	sld [smem:$0x0];
	_ =	sdelay $0x2  }
0xb8: {  	s31 =	sshll.u32 s1, $0xD;
	s1 =	sshrl.u32 s1, $0x2  }
0xb9: {  	s3 =	sand.u32 $0x4000, s31;
	s1 =	sadd.s32 s1, s30  }
0xba: {  	s0 =	sor.u32 s3, s0;
	s1 =	sshll.u32 s1, $0x11  }
0xbb: {  	s0 =	sor.u32 s1, s0  }
0xbc: {  	s0 =	sadd.s32 $0x8F2B, s0  }
0xbd: {  	[sflag:s0] =	ssyncadd.remote.s32 $0x1  }
0xbe: {  	_ =	sfence.sel $0xFFFF  }
0xbf: {  	[dreg:$0x0] =	wrdreg $0xFFFFFFFF;
	(pc) =	sbr.abs _section_cstart, $3  }
0xc0: {  	[dreg:$0x1] =	wrdreg $0xFFFFFFFF  }
0xc1: {  	_ =	task.clear_ibuf [dreg:s7], $0x2FFFF;
	_ =	strace $0x9FFFFFFF  }
0xc2: {  	(tm) =	ssettm $0x7FFFFFFF  }
0xc3: {  	_ =	shalt  }
tec
execute0_lowered:
.L_overlay_start_1:
0x0: {  	(tag) =	ssettag $0x1  }
0x1: {  	s3 =	rddreg [dreg:$0x0];
	s1 =	srdreg.scid  }
0x2: {  	s0 =	stileid.u32;
	s4 =	rddreg [dreg:$0x1];
	s2 =	simm.s32 $0x0  }
0x3: {  	s10 =	simm.s32 $0x2;
	s11 =	simm.s32 $0x1;
	s12 =	simm.s32 $0x5000  }
0x4: {  	s13 =	simm.s32 $0x6000;
	s5 =	sand.u32 $0x1, s1;
	s1 =	rddreg [dreg:$0x2]  }
0x5: {  	v2 =	vlaneseq.u32;
	s14 =	simm.s32 $0x0;
	s6 =	sshll.u32 s0, $0x1;
	[smem:$0x7FF] =	sst s2  }
0x6: {  	s31 =	sshll.u32 s0, $0xA;
	v0 =	vmul.u32 $0x40, v2;
	s6 =	sor.u32 s5, s6;
	_ =	strace $0x80000047  }
0x7: {  	v1 =	vimm.f32 $0.0e+00;
	v2 =	vmul.u32 $0x80, v2;
	s30 =	ssub.s32 $0x2, s5;
	s5 =	sand.u32 $0x3000, s31;
	s7 =	sshll.u32 s6, $0xB  }
0x8: {  	v6 =	vimm.f32 $1.000000000e+00;
	s8 =	sshll.u32 s6, $0xA;
	s9 =	sshrl.u32 s30, $0x1;
	s6 =	sshll.u32 s6, $0x4;
	v3 =	vor.u32 $0x400, v0;
	v4 =	vor.u32 $0x800, v0  }
0x9: {  	s4 =	sadd.s32 s4, s5;
	v5 =	vor.u32 $0xC00, v0;
	v7 =	vor.u32 $0x1, v2;
	v8 =	vor.u32 $0x2, v2;
	s7 =	sadd.s32 s7, s3;
	s8 =	sadd.s32 s8, s3  }
0xa: {  	v9 =	vor.u32 $0x800, v2;
	v10 =	vor.u32 $0x801, v2;
	v11 =	vor.u32 $0x802, v2;
	s9 =	ssub.s32 s30, s9;
	s6 =	sand.u32 $0x70, s6;
	s3 =	sadd.s32 $0x600, s7  }
0xb: {  	v12 =	vor.u32 $0x1000, v2;
	v13 =	vor.u32 $0x1001, v2;
	v14 =	vor.u32 $0x1002, v2;
	s4 =	sadd.s32 s6, s4;
	s5 =	sadd.s32 $0x10600, s8;
	s6 =	smax.u32 s9, $0x1  }
0xc: {  	v15 =	vor.u32 $0x1800, v2;
	v16 =	vor.u32 $0x1801, v2;
	v17 =	vor.u32 $0x1802, v2;
	s7 =	simm.s32 $0x1000;
	s8 =	simm.s32 $0x80;
	s9 =	simm.s32 $0x400  }
.LBB2_1:
0xd: {  	[tilespmem:s7], [sflag:$0x1] =	stream.linear.gather [hbm4b:s3+s2], $0x4000, $0x38;
	[tilespmem:$0x8000] =	vst v63  }
0xe: {  	_ = 	snop  }
0xf: {  	[tilespmem:s2], [sflag:$0x2] =	stream.strided.gather [hbm4b:s4+s8], $0x1000, s9, s8, $0x38;
	[tilespmem:$0x8000] =	vst v63  }
0x10: {  	_ =	swait.ge [sflag:s10], $0x1000  }
0x11: {  	[sflag:s10] =	ssyncset.done $0x0  }
0x12: {  	s15 =	simm.s32 $0x0;
	s16 =	simm.s32 $0x200;
	[sflag:s10] =	ssyncadd.s32 $0xFFFFF000  }
.LBB2_2:
0x13: {  	p0 =	sne.s32 s16, $0x3E00;
	[tilespmem:s15+$0x5070] =	vst v1  }
0x14: {  	[tilespmem:s15+$0x5000] =	vst v1  }
0x15: {  	[tilespmem:s15+$0x5010] =	vst v1  }
.Ltmp0:
0x16: {  	[tilespmem:s15+$0x5020] =	vst v1;
	(pc) =	sbr.rel @p0 .LBB2_2-.Ltmp0, $4  }
0x17: {  	[tilespmem:s15+$0x5030] =	vst v1  }
0x18: {  	[tilespmem:s15+$0x5040] =	vst v1  }
0x19: {  	[tilespmem:s15+$0x5050] =	vst v1  }
0x1a: {  	[tilespmem:s15+$0x5060] =	vst v1;
	s15 =	sshra.s32 s16, $0x2;
	s16 =	sadd.s32 $0x200, s16  }
0x1b: {  	[tilespmem:s15+$0x5070] =	vst v1  }
0x1c: {  	[tilespmem:s15+$0x5000] =	vst v1  }
0x1d: {  	[tilespmem:s15+$0x5010] =	vst v1  }
0x1e: {  	[tilespmem:s15+$0x5020] =	vst v1  }
0x1f: {  	[tilespmem:s15+$0x5030] =	vst v1  }
0x20: {  	[tilespmem:s15+$0x5040] =	vst v1  }
0x21: {  	[tilespmem:s15+$0x5050] =	vst v1  }
0x22: {  	[tilespmem:s15+$0x5060] =	vst v1  }
0x23: {  	_ =	swait.ge [sflag:s11], $0x4000  }
0x24: {  	[sflag:s11] =	ssyncset.done $0x0  }
0x25: {  	s15 =	simm.s32 $0x0;
	s16 =	simm.s32 $0x10C0;
	[sflag:s11] =	ssyncadd.s32 $0xFFFFC000  }
.LBB2_4:
0x26: {  	s17 =	sshra.s32 s15, $0x2  }
0x27: {  	v18 =	vld [tilespmem:s17+$0x0];
	_ =	sdelay $0x4  }
0x28: {  	v20 =	vld [tilespmem:s16+$0xFFFFFF40];
	v19 =	vadd.s32 v0, v18;
	_ =	sdelay $0x4  }
0x29: {  	[tilespmem:v19+s12+$0x0] =	vst.idx.add.f32.msk $0xffff, v20  }
0x2a: {  	v48 =	vadd.s32 v3, v18;
	v19 =	vld [tilespmem:s16+$0xFFFFFFC0];
	_ =	sdelay $0x4  }
0x2b: {  	[tilespmem:v48+s12+$0x0] =	vst.idx.add.f32.msk $0xffff, v19  }
0x2c: {  	v49 =	vadd.s32 v4, v18;
	v19 =	vld [tilespmem:s16+$0x40]  }
0x2d: {  	v18 =	vadd.s32 v5, v18;
	_ =	sdelay $0x3  }
0x2e: {  	[tilespmem:v49+s12+$0x0] =	vst.idx.add.f32.msk $0xffff, v19  }
0x2f: {  	[tilespmem:v18+s12+$0x0] =	vst.idx.add.f32.msk $0xffff, v6  }
0x30: {  	v18 =	vld [tilespmem:s17+$0x10];
	_ =	sdelay $0x4  }
0x31: {  	v20 =	vld [tilespmem:s16+$0xFFFFFF50];
	v19 =	vadd.s32 v0, v18;
	_ =	sdelay $0x4  }
0x32: {  	[tilespmem:v19+s12+$0x0] =	vst.idx.add.f32.msk $0xffff, v20  }
0x33: {  	v50 =	vadd.s32 v3, v18;
	v19 =	vld [tilespmem:s16+$0xFFFFFFD0];
	_ =	sdelay $0x4  }
0x34: {  	[tilespmem:v50+s12+$0x0] =	vst.idx.add.f32.msk $0xffff, v19  }
0x35: {  	v51 =	vadd.s32 v4, v18;
	v19 =	vld [tilespmem:s16+$0x50]  }
0x36: {  	v18 =	vadd.s32 v5, v18;
	_ =	sdelay $0x3  }
0x37: {  	[tilespmem:v51+s12+$0x0] =	vst.idx.add.f32.msk $0xffff, v19  }
0x38: {  	[tilespmem:v18+s12+$0x0] =	vst.idx.add.f32.msk $0xffff, v6  }
0x39: {  	v18 =	vld [tilespmem:s17+$0x20];
	_ =	sdelay $0x4  }
0x3a: {  	v20 =	vld [tilespmem:s16+$0xFFFFFF60];
	v19 =	vadd.s32 v0, v18;
	_ =	sdelay $0x4  }
0x3b: {  	[tilespmem:v19+s12+$0x0] =	vst.idx.add.f32.msk $0xffff, v20  }
0x3c: {  	v52 =	vadd.s32 v3, v18;
	v19 =	vld [tilespmem:s16+$0xFFFFFFE0];
	_ =	sdelay $0x4  }
0x3d: {  	[tilespmem:v52+s12+$0x0] =	vst.idx.add.f32.msk $0xffff, v19  }
0x3e: {  	v53 =	vadd.s32 v4, v18;
	v19 =	vld [tilespmem:s16+$0x60]  }
0x3f: {  	v18 =	vadd.s32 v5, v18;
	_ =	sdelay $0x3  }
0x40: {  	[tilespmem:v53+s12+$0x0] =	vst.idx.add.f32.msk $0xffff, v19  }
0x41: {  	[tilespmem:v18+s12+$0x0] =	vst.idx.add.f32.msk $0xffff, v6  }
0x42: {  	v18 =	vld [tilespmem:s17+$0x30];
	_ =	sdelay $0x4  }
0x43: {  	v20 =	vld [tilespmem:s16+$0xFFFFFF70];
	v19 =	vadd.s32 v0, v18;
	_ =	sdelay $0x4  }
0x44: {  	[tilespmem:v19+s12+$0x0] =	vst.idx.add.f32.msk $0xffff, v20  }
0x45: {  	v54 =	vadd.s32 v3, v18;
	v19 =	vld [tilespmem:s16+$0xFFFFFFF0];
	_ =	sdelay $0x4  }
0x46: {  	[tilespmem:v54+s12+$0x0] =	vst.idx.add.f32.msk $0xffff, v19  }
0x47: {  	v55 =	vadd.s32 v4, v18;
	v19 =	vld [tilespmem:s16+$0x70]  }
0x48: {  	v18 =	vadd.s32 v5, v18;
	_ =	sdelay $0x3  }
0x49: {  	[tilespmem:v55+s12+$0x0] =	vst.idx.add.f32.msk $0xffff, v19  }
0x4a: {  	[tilespmem:v18+s12+$0x0] =	vst.idx.add.f32.msk $0xffff, v6  }
0x4b: {  	v18 =	vld [tilespmem:s17+$0x40];
	_ =	sdelay $0x4  }
0x4c: {  	v20 =	vld [tilespmem:s16+$0xFFFFFF80];
	v19 =	vadd.s32 v0, v18;
	_ =	sdelay $0x4  }
0x4d: {  	[tilespmem:v19+s12+$0x0] =	vst.idx.add.f32.msk $0xffff, v20  }
0x4e: {  	v56 =	vadd.s32 v3, v18;
	v19 =	vld [tilespmem:s16+$0x0];
	_ =	sdelay $0x4  }
0x4f: {  	[tilespmem:v56+s12+$0x0] =	vst.idx.add.f32.msk $0xffff, v19  }
0x50: {  	v57 =	vadd.s32 v4, v18;
	v19 =	vld [tilespmem:s16+$0x80]  }
0x51: {  	v18 =	vadd.s32 v5, v18;
	_ =	sdelay $0x3  }
0x52: {  	[tilespmem:v57+s12+$0x0] =	vst.idx.add.f32.msk $0xffff, v19  }
0x53: {  	[tilespmem:v18+s12+$0x0] =	vst.idx.add.f32.msk $0xffff, v6  }
0x54: {  	v18 =	vld [tilespmem:s17+$0x50];
	_ =	sdelay $0x4  }
0x55: {  	v20 =	vld [tilespmem:s16+$0xFFFFFF90];
	v19 =	vadd.s32 v0, v18;
	_ =	sdelay $0x4  }
0x56: {  	[tilespmem:v19+s12+$0x0] =	vst.idx.add.f32.msk $0xffff, v20  }
0x57: {  	v58 =	vadd.s32 v3, v18;
	v19 =	vld [tilespmem:s16+$0x10];
	_ =	sdelay $0x4  }
0x58: {  	[tilespmem:v58+s12+$0x0] =	vst.idx.add.f32.msk $0xffff, v19  }
0x59: {  	v59 =	vadd.s32 v4, v18;
	v19 =	vld [tilespmem:s16+$0x90]  }
0x5a: {  	v18 =	vadd.s32 v5, v18;
	_ =	sdelay $0x3  }
0x5b: {  	[tilespmem:v59+s12+$0x0] =	vst.idx.add.f32.msk $0xffff, v19  }
0x5c: {  	[tilespmem:v18+s12+$0x0] =	vst.idx.add.f32.msk $0xffff, v6  }
0x5d: {  	v18 =	vld [tilespmem:s17+$0x60];
	_ =	sdelay $0x4  }
0x5e: {  	v20 =	vld [tilespmem:s16+$0xFFFFFFA0];
	v19 =	vadd.s32 v0, v18;
	_ =	sdelay $0x4  }
0x5f: {  	[tilespmem:v19+s12+$0x0] =	vst.idx.add.f32.msk $0xffff, v20  }
0x60: {  	v60 =	vadd.s32 v3, v18;
	v19 =	vld [tilespmem:s16+$0x20];
	_ =	sdelay $0x4  }
0x61: {  	[tilespmem:v60+s12+$0x0] =	vst.idx.add.f32.msk $0xffff, v19  }
0x62: {  	v61 =	vadd.s32 v4, v18;
	v19 =	vld [tilespmem:s16+$0xA0]  }
0x63: {  	v18 =	vadd.s32 v5, v18;
	_ =	sdelay $0x3  }
0x64: {  	[tilespmem:v61+s12+$0x0] =	vst.idx.add.f32.msk $0xffff, v19  }
0x65: {  	[tilespmem:v18+s12+$0x0] =	vst.idx.add.f32.msk $0xffff, v6  }
0x66: {  	v18 =	vld [tilespmem:s17+$0x70];
	_ =	sdelay $0x4  }
0x67: {  	v20 =	vld [tilespmem:s16+$0xFFFFFFB0];
	v19 =	vadd.s32 v0, v18;
	_ =	sdelay $0x4  }
0x68: {  	[tilespmem:v19+s12+$0x0] =	vst.idx.add.f32.msk $0xffff, v20  }
0x69: {  	v62 =	vadd.s32 v3, v18;
	v19 =	vld [tilespmem:s16+$0x30];
	_ =	sdelay $0x4  }
0x6a: {  	[tilespmem:v62+s12+$0x0] =	vst.idx.add.f32.msk $0xffff, v19  }
0x6b: {  	v63 =	vadd.s32 v4, v18;
	v19 =	vld [tilespmem:s16+$0xB0]  }
0x6c: {  	p0 =	sne.s32 s15, $0x3E00;
	v18 =	vadd.s32 v5, v18  }
.Ltmp1:
0x6d: {  	_ = 	snop;
	(pc) =	sbr.rel @p0 .LBB2_4-.Ltmp1, $3  }
0x6e: {  	_ =	sdelay $0x1  }
0x6f: {  	[tilespmem:v63+s12+$0x0] =	vst.idx.add.f32.msk $0xffff, v19  }
0x70: {  	s15 =	sadd.s32 $0x200, s15;
	s16 =	sadd.s32 $0x200, s16;
	[tilespmem:v18+s12+$0x0] =	vst.idx.add.f32.msk $0xffff, v6  }
0x71: {  	v18 =	vld [tilespmem:$0x5C00];
	_ =	sdelay $0x1  }
0x72: {  	v19 =	vld [tilespmem:$0x5C40];
	_ =	sdelay $0x1  }
0x73: {  	v20 =	vld [tilespmem:$0x5C80]  }
0x74: {  	v18 =	vadd.f32 $0.0e+00, v18  }
0x75: {  	v21 =	vld [tilespmem:$0x5CC0]  }
0x76: {  	v18 =	vadd.f32 v19, v18  }
0x77: {  	v19 =	vld [tilespmem:$0x5D00]  }
0x78: {  	v18 =	vadd.f32 v20, v18  }
0x79: {  	v33 =	vld [tilespmem:$0x5D40]  }
0x7a: {  	v34 =	vld [tilespmem:$0x5000];
	v18 =	vadd.f32 v21, v18  }
0x7b: {  	v22 =	vld [tilespmem:$0x5D80]  }
0x7c: {  	v18 =	vadd.f32 v19, v18;
	v19 =	vld [tilespmem:$0x5040]  }
0x7d: {  	v23 =	vld [tilespmem:$0x5DC0]  }
0x7e: {  	v35 =	vld [tilespmem:$0x5080];
	v18 =	vadd.f32 v33, v18  }
0x7f: {  	v24 =	vld [tilespmem:$0x5E00];
	v21 =	vadd.f32 $0.0e+00, v34  }
0x80: {  	v36 =	vld [tilespmem:$0x50C0];
	v18 =	vadd.f32 v22, v18  }
0x81: {  	v37 =	vld [tilespmem:$0x5E40];
	v19 =	vadd.f32 v19, v21  }
0x82: {  	v38 =	vld [tilespmem:$0x5100];
	v18 =	vadd.f32 v23, v18  }
0x83: {  	v39 =	vld [tilespmem:$0x5E80];
	v19 =	vadd.f32 v35, v19  }
0x84: {  	v40 =	vld [tilespmem:$0x5140];
	v18 =	vadd.f32 v24, v18  }
0x85: {  	v41 =	vld [tilespmem:$0x5EC0];
	v19 =	vadd.f32 v36, v19  }
0x86: {  	v42 =	vld [tilespmem:$0x5180];
	v18 =	vadd.f32 v37, v18  }
0x87: {  	v43 =	vld [tilespmem:$0x5F00];
	v19 =	vadd.f32 v38, v19  }
0x88: {  	v44 =	vld [tilespmem:$0x51C0];
	v18 =	vadd.f32 v39, v18  }
0x89: {  	v45 =	vld [tilespmem:$0x5F40];
	v19 =	vadd.f32 v40, v19  }
0x8a: {  	v46 =	vld [tilespmem:$0x5200];
	v18 =	vadd.f32 v41, v18  }
0x8b: {  	v47 =	vld [tilespmem:$0x5F80];
	v19 =	vadd.f32 v42, v19  }
0x8c: {  	v48 =	vld [tilespmem:$0x5240];
	v18 =	vadd.f32 v43, v18  }
0x8d: {  	v49 =	vld [tilespmem:$0x5FC0];
	v19 =	vadd.f32 v44, v19  }
0x8e: {  	v50 =	vld [tilespmem:$0x5280];
	v18 =	vadd.f32 v45, v18  }
0x8f: {  	v19 =	vadd.f32 v46, v19  }
0x90: {  	v51 =	vld [tilespmem:$0x52C0];
	v18 =	vadd.f32 v47, v18  }
0x91: {  	v19 =	vadd.f32 v48, v19  }
0x92: {  	v52 =	vld [tilespmem:$0x5300];
	v18 =	vadd.f32 v49, v18  }
0x93: {  	v19 =	vadd.f32 v50, v19  }
0x94: {  	v53 =	vld [tilespmem:$0x5340];
	v18 =	vmax.f32 v18, $1.000000000e+00  }
0x95: {  	(erf) = vrcp.f32 v18;
	v18 =	vadd.f32 v51, v19  }
0x96: {  	v19 =	vld [tilespmem:$0x5380]  }
0x97: {  	v18 =	vadd.f32 v52, v18  }
0x98: {  	v54 =	vld [tilespmem:$0x53C0]  }
0x99: {  	v18 =	vadd.f32 v53, v18;
	_ =	sdelay $0x1  }
0x9a: {  	v18 =	vadd.f32 v19, v18;
	_ =	sdelay $0x1  }
0x9b: {  	v18 =	vadd.f32 v54, v18  }
0x9c: {  	v19 =	vpop (erf)  }
0x9d: {  	v18 =	vmul.f32 v18, v19;
	_ =	sdelay $0x1  }
0x9e: {  	[tilespmem:v2+s13+$0x0] =	vst.idx.msk $0xffff, v18  }
0x9f: {  	v18 =	vld [tilespmem:$0x5400];
	_ =	sdelay $0x1  }
0xa0: {  	v55 =	vld [tilespmem:$0x5440];
	_ =	sdelay $0x1  }
0xa1: {  	v56 =	vld [tilespmem:$0x5480]  }
0xa2: {  	v18 =	vadd.f32 $0.0e+00, v18  }
0xa3: {  	v57 =	vld [tilespmem:$0x54C0]  }
0xa4: {  	v18 =	vadd.f32 v55, v18  }
0xa5: {  	v58 =	vld [tilespmem:$0x5500]  }
0xa6: {  	v18 =	vadd.f32 v56, v18  }
0xa7: {  	v59 =	vld [tilespmem:$0x5540]  }
0xa8: {  	v18 =	vadd.f32 v57, v18  }
0xa9: {  	v60 =	vld [tilespmem:$0x5580]  }
0xaa: {  	v18 =	vadd.f32 v58, v18  }
0xab: {  	v61 =	vld [tilespmem:$0x55C0]  }
0xac: {  	v18 =	vadd.f32 v59, v18  }
0xad: {  	v62 =	vld [tilespmem:$0x5600]  }
0xae: {  	v18 =	vadd.f32 v60, v18  }
0xaf: {  	v63 =	vld [tilespmem:$0x5640]  }
0xb0: {  	v18 =	vadd.f32 v61, v18  }
0xb1: {  	v24 =	vld [tilespmem:$0x5680]  }
0xb2: {  	v18 =	vadd.f32 v62, v18  }
0xb3: {  	v25 =	vld [tilespmem:$0x56C0]  }
0xb4: {  	v18 =	vadd.f32 v63, v18  }
0xb5: {  	v26 =	vld [tilespmem:$0x5700]  }
0xb6: {  	v18 =	vadd.f32 v24, v18  }
0xb7: {  	v27 =	vld [tilespmem:$0x5740]  }
0xb8: {  	v18 =	vadd.f32 v25, v18  }
0xb9: {  	v28 =	vld [tilespmem:$0x5780]  }
0xba: {  	v18 =	vadd.f32 v26, v18  }
0xbb: {  	v29 =	vld [tilespmem:$0x57C0]  }
0xbc: {  	v18 =	vadd.f32 v27, v18;
	_ =	sdelay $0x1  }
0xbd: {  	v18 =	vadd.f32 v28, v18;
	_ =	sdelay $0x1  }
0xbe: {  	v18 =	vadd.f32 v29, v18;
	_ =	sdelay $0x1  }
0xbf: {  	v18 =	vmul.f32 v18, v19;
	_ =	sdelay $0x1  }
0xc0: {  	[tilespmem:v7+s13+$0x0] =	vst.idx.msk $0xffff, v18  }
0xc1: {  	v18 =	vld [tilespmem:$0x5800];
	_ =	sdelay $0x1  }
0xc2: {  	v30 =	vld [tilespmem:$0x5840];
	_ =	sdelay $0x1  }
0xc3: {  	v31 =	vld [tilespmem:$0x5880]  }
0xc4: {  	v18 =	vadd.f32 $0.0e+00, v18  }
0xc5: {  	v32 =	vld [tilespmem:$0x58C0]  }
0xc6: {  	v18 =	vadd.f32 v30, v18  }
0xc7: {  	v33 =	vld [tilespmem:$0x5900]  }
0xc8: {  	v18 =	vadd.f32 v31, v18  }
0xc9: {  	v34 =	vld [tilespmem:$0x5940]  }
0xca: {  	v18 =	vadd.f32 v32, v18  }
0xcb: {  	v35 =	vld [tilespmem:$0x5980]  }
0xcc: {  	v18 =	vadd.f32 v33, v18  }
0xcd: {  	v36 =	vld [tilespmem:$0x59C0]  }
0xce: {  	v18 =	vadd.f32 v34, v18  }
0xcf: {  	v37 =	vld [tilespmem:$0x5A00]  }
0xd0: {  	v18 =	vadd.f32 v35, v18  }
0xd1: {  	v38 =	vld [tilespmem:$0x5A40]  }
0xd2: {  	v18 =	vadd.f32 v36, v18  }
0xd3: {  	v39 =	vld [tilespmem:$0x5A80]  }
0xd4: {  	v18 =	vadd.f32 v37, v18  }
0xd5: {  	v40 =	vld [tilespmem:$0x5AC0]  }
0xd6: {  	v18 =	vadd.f32 v38, v18  }
0xd7: {  	v41 =	vld [tilespmem:$0x5B00]  }
0xd8: {  	v18 =	vadd.f32 v39, v18  }
0xd9: {  	v42 =	vld [tilespmem:$0x5B40]  }
0xda: {  	v18 =	vadd.f32 v40, v18  }
0xdb: {  	v43 =	vld [tilespmem:$0x5B80]  }
0xdc: {  	v18 =	vadd.f32 v41, v18  }
0xdd: {  	v44 =	vld [tilespmem:$0x5BC0]  }
0xde: {  	v18 =	vadd.f32 v42, v18;
	_ =	sdelay $0x1  }
0xdf: {  	v18 =	vadd.f32 v43, v18;
	_ =	sdelay $0x1  }
0xe0: {  	v18 =	vadd.f32 v44, v18;
	_ =	sdelay $0x1  }
0xe1: {  	v18 =	vmul.f32 v18, v19;
	_ =	sdelay $0x1  }
0xe2: {  	[tilespmem:v8+s13+$0x0] =	vst.idx.msk $0xffff, v18  }
0xe3: {  	v18 =	vld [tilespmem:$0x5C10];
	_ =	sdelay $0x1  }
0xe4: {  	v19 =	vld [tilespmem:$0x5C50];
	_ =	sdelay $0x1  }
0xe5: {  	v45 =	vld [tilespmem:$0x5C90]  }
0xe6: {  	v18 =	vadd.f32 $0.0e+00, v18  }
0xe7: {  	v46 =	vld [tilespmem:$0x5CD0]  }
0xe8: {  	v18 =	vadd.f32 v19, v18  }
0xe9: {  	v19 =	vld [tilespmem:$0x5D10]  }
0xea: {  	v18 =	vadd.f32 v45, v18  }
0xeb: {  	v47 =	vld [tilespmem:$0x5D50]  }
0xec: {  	v48 =	vld [tilespmem:$0x5010];
	v18 =	vadd.f32 v46, v18  }
0xed: {  	v49 =	vld [tilespmem:$0x5D90]  }
0xee: {  	v18 =	vadd.f32 v19, v18;
	v19 =	vld [tilespmem:$0x5050]  }
0xef: {  	v50 =	vld [tilespmem:$0x5DD0]  }
0xf0: {  	v51 =	vld [tilespmem:$0x5090];
	v18 =	vadd.f32 v47, v18  }
0xf1: {  	v52 =	vld [tilespmem:$0x5E10];
	v21 =	vadd.f32 $0.0e+00, v48  }
0xf2: {  	v53 =	vld [tilespmem:$0x50D0];
	v18 =	vadd.f32 v49, v18  }
0xf3: {  	v54 =	vld [tilespmem:$0x5E50];
	v19 =	vadd.f32 v19, v21  }
0xf4: {  	v55 =	vld [tilespmem:$0x5110];
	v18 =	vadd.f32 v50, v18  }
0xf5: {  	v56 =	vld [tilespmem:$0x5E90];
	v19 =	vadd.f32 v51, v19  }
0xf6: {  	v57 =	vld [tilespmem:$0x5150];
	v18 =	vadd.f32 v52, v18  }
0xf7: {  	v58 =	vld [tilespmem:$0x5ED0];
	v19 =	vadd.f32 v53, v19  }
0xf8: {  	v59 =	vld [tilespmem:$0x5190];
	v18 =	vadd.f32 v54, v18  }
0xf9: {  	v60 =	vld [tilespmem:$0x5F10];
	v19 =	vadd.f32 v55, v19  }
0xfa: {  	v61 =	vld [tilespmem:$0x51D0];
	v18 =	vadd.f32 v56, v18  }
0xfb: {  	v62 =	vld [tilespmem:$0x5F50];
	v19 =	vadd.f32 v57, v19  }
0xfc: {  	v63 =	vld [tilespmem:$0x5210];
	v18 =	vadd.f32 v58, v18  }
0xfd: {  	v28 =	vld [tilespmem:$0x5F90];
	v19 =	vadd.f32 v59, v19  }
0xfe: {  	v29 =	vld [tilespmem:$0x5250];
	v18 =	vadd.f32 v60, v18  }
0xff: {  	v30 =	vld [tilespmem:$0x5FD0];
	v19 =	vadd.f32 v61, v19  }
0x100: {  	v31 =	vld [tilespmem:$0x5290];
	v18 =	vadd.f32 v62, v18  }
0x101: {  	v19 =	vadd.f32 v63, v19  }
0x102: {  	v32 =	vld [tilespmem:$0x52D0];
	v18 =	vadd.f32 v28, v18  }
0x103: {  	v19 =	vadd.f32 v29, v19  }
0x104: {  	v33 =	vld [tilespmem:$0x5310];
	v18 =	vadd.f32 v30, v18  }
0x105: {  	v19 =	vadd.f32 v31, v19  }
0x106: {  	v34 =	vld [tilespmem:$0x5350];
	v18 =	vmax.f32 v18, $1.000000000e+00  }
0x107: {  	(erf) = vrcp.f32 v18;
	v18 =	vadd.f32 v32, v19  }
0x108: {  	v19 =	vld [tilespmem:$0x5390]  }
0x109: {  	v18 =	vadd.f32 v33, v18  }
0x10a: {  	v35 =	vld [tilespmem:$0x53D0]  }
0x10b: {  	v18 =	vadd.f32 v34, v18;
	_ =	sdelay $0x1  }
0x10c: {  	v18 =	vadd.f32 v19, v18;
	_ =	sdelay $0x1  }
0x10d: {  	v18 =	vadd.f32 v35, v18  }
0x10e: {  	v19 =	vpop (erf)  }
0x10f: {  	v18 =	vmul.f32 v18, v19;
	_ =	sdelay $0x1  }
0x110: {  	[tilespmem:v9+s13+$0x0] =	vst.idx.msk $0xffff, v18  }
0x111: {  	v18 =	vld [tilespmem:$0x5410];
	_ =	sdelay $0x1  }
0x112: {  	v36 =	vld [tilespmem:$0x5450];
	_ =	sdelay $0x1  }
0x113: {  	v37 =	vld [tilespmem:$0x5490]  }
0x114: {  	v18 =	vadd.f32 $0.0e+00, v18  }
0x115: {  	v38 =	vld [tilespmem:$0x54D0]  }
0x116: {  	v18 =	vadd.f32 v36, v18  }
0x117: {  	v39 =	vld [tilespmem:$0x5510]  }
0x118: {  	v18 =	vadd.f32 v37, v18  }
0x119: {  	v40 =	vld [tilespmem:$0x5550]  }
0x11a: {  	v18 =	vadd.f32 v38, v18  }
0x11b: {  	v41 =	vld [tilespmem:$0x5590]  }
0x11c: {  	v18 =	vadd.f32 v39, v18  }
0x11d: {  	v42 =	vld [tilespmem:$0x55D0]  }
0x11e: {  	v18 =	vadd.f32 v40, v18  }
0x11f: {  	v43 =	vld [tilespmem:$0x5610]  }
0x120: {  	v18 =	vadd.f32 v41, v18  }
0x121: {  	v44 =	vld [tilespmem:$0x5650]  }
0x122: {  	v18 =	vadd.f32 v42, v18  }
0x123: {  	v45 =	vld [tilespmem:$0x5690]  }
0x124: {  	v18 =	vadd.f32 v43, v18  }
0x125: {  	v46 =	vld [tilespmem:$0x56D0]  }
0x126: {  	v18 =	vadd.f32 v44, v18  }
0x127: {  	v47 =	vld [tilespmem:$0x5710]  }
0x128: {  	v18 =	vadd.f32 v45, v18  }
0x129: {  	v48 =	vld [tilespmem:$0x5750]  }
0x12a: {  	v18 =	vadd.f32 v46, v18  }
0x12b: {  	v49 =	vld [tilespmem:$0x5790]  }
0x12c: {  	v18 =	vadd.f32 v47, v18  }
0x12d: {  	v50 =	vld [tilespmem:$0x57D0]  }
0x12e: {  	v18 =	vadd.f32 v48, v18;
	_ =	sdelay $0x1  }
0x12f: {  	v18 =	vadd.f32 v49, v18;
	_ =	sdelay $0x1  }
0x130: {  	v18 =	vadd.f32 v50, v18;
	_ =	sdelay $0x1  }
0x131: {  	v18 =	vmul.f32 v18, v19;
	_ =	sdelay $0x1  }
0x132: {  	[tilespmem:v10+s13+$0x0] =	vst.idx.msk $0xffff, v18  }
0x133: {  	v18 =	vld [tilespmem:$0x5810];
	_ =	sdelay $0x1  }
0x134: {  	v51 =	vld [tilespmem:$0x5850];
	_ =	sdelay $0x1  }
0x135: {  	v52 =	vld [tilespmem:$0x5890]  }
0x136: {  	v18 =	vadd.f32 $0.0e+00, v18  }
0x137: {  	v53 =	vld [tilespmem:$0x58D0]  }
0x138: {  	v18 =	vadd.f32 v51, v18  }
0x139: {  	v54 =	vld [tilespmem:$0x5910]  }
0x13a: {  	v18 =	vadd.f32 v52, v18  }
0x13b: {  	v55 =	vld [tilespmem:$0x5950]  }
0x13c: {  	v18 =	vadd.f32 v53, v18  }
0x13d: {  	v56 =	vld [tilespmem:$0x5990]  }
0x13e: {  	v18 =	vadd.f32 v54, v18  }
0x13f: {  	v57 =	vld [tilespmem:$0x59D0]  }
0x140: {  	v18 =	vadd.f32 v55, v18  }
0x141: {  	v58 =	vld [tilespmem:$0x5A10]  }
0x142: {  	v18 =	vadd.f32 v56, v18  }
0x143: {  	v59 =	vld [tilespmem:$0x5A50]  }
0x144: {  	v18 =	vadd.f32 v57, v18  }
0x145: {  	v60 =	vld [tilespmem:$0x5A90]  }
0x146: {  	v18 =	vadd.f32 v58, v18  }
0x147: {  	v61 =	vld [tilespmem:$0x5AD0]  }
0x148: {  	v18 =	vadd.f32 v59, v18  }
0x149: {  	v62 =	vld [tilespmem:$0x5B10]  }
0x14a: {  	v18 =	vadd.f32 v60, v18  }
0x14b: {  	v63 =	vld [tilespmem:$0x5B50]  }
0x14c: {  	v18 =	vadd.f32 v61, v18  }
0x14d: {  	v24 =	vld [tilespmem:$0x5B90]  }
0x14e: {  	v18 =	vadd.f32 v62, v18  }
0x14f: {  	v25 =	vld [tilespmem:$0x5BD0]  }
0x150: {  	v18 =	vadd.f32 v63, v18;
	_ =	sdelay $0x1  }
0x151: {  	v18 =	vadd.f32 v24, v18;
	_ =	sdelay $0x1  }
0x152: {  	v18 =	vadd.f32 v25, v18;
	_ =	sdelay $0x1  }
0x153: {  	v18 =	vmul.f32 v18, v19;
	_ =	sdelay $0x1  }
0x154: {  	[tilespmem:v11+s13+$0x0] =	vst.idx.msk $0xffff, v18  }
0x155: {  	v18 =	vld [tilespmem:$0x5C20];
	_ =	sdelay $0x1  }
0x156: {  	v19 =	vld [tilespmem:$0x5C60];
	_ =	sdelay $0x1  }
0x157: {  	v26 =	vld [tilespmem:$0x5CA0]  }
0x158: {  	v18 =	vadd.f32 $0.0e+00, v18  }
0x159: {  	v27 =	vld [tilespmem:$0x5CE0]  }
0x15a: {  	v18 =	vadd.f32 v19, v18  }
0x15b: {  	v19 =	vld [tilespmem:$0x5D20]  }
0x15c: {  	v18 =	vadd.f32 v26, v18  }
0x15d: {  	v28 =	vld [tilespmem:$0x5D60]  }
0x15e: {  	v29 =	vld [tilespmem:$0x5020];
	v18 =	vadd.f32 v27, v18  }
0x15f: {  	v30 =	vld [tilespmem:$0x5DA0]  }
0x160: {  	v18 =	vadd.f32 v19, v18;
	v19 =	vld [tilespmem:$0x5060]  }
0x161: {  	v31 =	vld [tilespmem:$0x5DE0]  }
0x162: {  	v32 =	vld [tilespmem:$0x50A0];
	v18 =	vadd.f32 v28, v18  }
0x163: {  	v33 =	vld [tilespmem:$0x5E20];
	v21 =	vadd.f32 $0.0e+00, v29  }
0x164: {  	v34 =	vld [tilespmem:$0x50E0];
	v18 =	vadd.f32 v30, v18  }
0x165: {  	v35 =	vld [tilespmem:$0x5E60];
	v19 =	vadd.f32 v19, v21  }
0x166: {  	v36 =	vld [tilespmem:$0x5120];
	v18 =	vadd.f32 v31, v18  }
0x167: {  	v37 =	vld [tilespmem:$0x5EA0];
	v19 =	vadd.f32 v32, v19  }
0x168: {  	v38 =	vld [tilespmem:$0x5160];
	v18 =	vadd.f32 v33, v18  }
0x169: {  	v39 =	vld [tilespmem:$0x5EE0];
	v19 =	vadd.f32 v34, v19  }
0x16a: {  	v40 =	vld [tilespmem:$0x51A0];
	v18 =	vadd.f32 v35, v18  }
0x16b: {  	v41 =	vld [tilespmem:$0x5F20];
	v19 =	vadd.f32 v36, v19  }
0x16c: {  	v42 =	vld [tilespmem:$0x51E0];
	v18 =	vadd.f32 v37, v18  }
0x16d: {  	v43 =	vld [tilespmem:$0x5F60];
	v19 =	vadd.f32 v38, v19  }
0x16e: {  	v44 =	vld [tilespmem:$0x5220];
	v18 =	vadd.f32 v39, v18  }
0x16f: {  	v45 =	vld [tilespmem:$0x5FA0];
	v19 =	vadd.f32 v40, v19  }
0x170: {  	v46 =	vld [tilespmem:$0x5260];
	v18 =	vadd.f32 v41, v18  }
0x171: {  	v47 =	vld [tilespmem:$0x5FE0];
	v19 =	vadd.f32 v42, v19  }
0x172: {  	v48 =	vld [tilespmem:$0x52A0];
	v18 =	vadd.f32 v43, v18  }
0x173: {  	v19 =	vadd.f32 v44, v19  }
0x174: {  	v49 =	vld [tilespmem:$0x52E0];
	v18 =	vadd.f32 v45, v18  }
0x175: {  	v19 =	vadd.f32 v46, v19  }
0x176: {  	v50 =	vld [tilespmem:$0x5320];
	v18 =	vadd.f32 v47, v18  }
0x177: {  	v19 =	vadd.f32 v48, v19  }
0x178: {  	v51 =	vld [tilespmem:$0x5360];
	v18 =	vmax.f32 v18, $1.000000000e+00  }
0x179: {  	(erf) = vrcp.f32 v18;
	v18 =	vadd.f32 v49, v19  }
0x17a: {  	v19 =	vld [tilespmem:$0x53A0]  }
0x17b: {  	v18 =	vadd.f32 v50, v18  }
0x17c: {  	v52 =	vld [tilespmem:$0x53E0]  }
0x17d: {  	v18 =	vadd.f32 v51, v18;
	_ =	sdelay $0x1  }
0x17e: {  	v18 =	vadd.f32 v19, v18;
	_ =	sdelay $0x1  }
0x17f: {  	v18 =	vadd.f32 v52, v18  }
0x180: {  	v19 =	vpop (erf)  }
0x181: {  	v18 =	vmul.f32 v18, v19;
	_ =	sdelay $0x1  }
0x182: {  	[tilespmem:v12+s13+$0x0] =	vst.idx.msk $0xffff, v18  }
0x183: {  	v18 =	vld [tilespmem:$0x5420];
	_ =	sdelay $0x1  }
0x184: {  	v53 =	vld [tilespmem:$0x5460];
	_ =	sdelay $0x1  }
0x185: {  	v54 =	vld [tilespmem:$0x54A0]  }
0x186: {  	v18 =	vadd.f32 $0.0e+00, v18  }
0x187: {  	v55 =	vld [tilespmem:$0x54E0]  }
0x188: {  	v18 =	vadd.f32 v53, v18  }
0x189: {  	v56 =	vld [tilespmem:$0x5520]  }
0x18a: {  	v18 =	vadd.f32 v54, v18  }
0x18b: {  	v57 =	vld [tilespmem:$0x5560]  }
0x18c: {  	v18 =	vadd.f32 v55, v18  }
0x18d: {  	v58 =	vld [tilespmem:$0x55A0]  }
0x18e: {  	v18 =	vadd.f32 v56, v18  }
0x18f: {  	v59 =	vld [tilespmem:$0x55E0]  }
0x190: {  	v18 =	vadd.f32 v57, v18  }
0x191: {  	v60 =	vld [tilespmem:$0x5620]  }
0x192: {  	v18 =	vadd.f32 v58, v18  }
0x193: {  	v61 =	vld [tilespmem:$0x5660]  }
0x194: {  	v18 =	vadd.f32 v59, v18  }
0x195: {  	v62 =	vld [tilespmem:$0x56A0]  }
0x196: {  	v18 =	vadd.f32 v60, v18  }
0x197: {  	v63 =	vld [tilespmem:$0x56E0]  }
0x198: {  	v18 =	vadd.f32 v61, v18  }
0x199: {  	v24 =	vld [tilespmem:$0x5720]  }
0x19a: {  	v18 =	vadd.f32 v62, v18  }
0x19b: {  	v25 =	vld [tilespmem:$0x5760]  }
0x19c: {  	v18 =	vadd.f32 v63, v18  }
0x19d: {  	v26 =	vld [tilespmem:$0x57A0]  }
0x19e: {  	v18 =	vadd.f32 v24, v18  }
0x19f: {  	v27 =	vld [tilespmem:$0x57E0]  }
0x1a0: {  	v18 =	vadd.f32 v25, v18;
	_ =	sdelay $0x1  }
0x1a1: {  	v18 =	vadd.f32 v26, v18;
	_ =	sdelay $0x1  }
0x1a2: {  	v18 =	vadd.f32 v27, v18;
	_ =	sdelay $0x1  }
0x1a3: {  	v18 =	vmul.f32 v18, v19;
	_ =	sdelay $0x1  }
0x1a4: {  	[tilespmem:v13+s13+$0x0] =	vst.idx.msk $0xffff, v18  }
0x1a5: {  	v18 =	vld [tilespmem:$0x5820];
	_ =	sdelay $0x1  }
0x1a6: {  	v28 =	vld [tilespmem:$0x5860];
	_ =	sdelay $0x1  }
0x1a7: {  	v29 =	vld [tilespmem:$0x58A0]  }
0x1a8: {  	v18 =	vadd.f32 $0.0e+00, v18  }
0x1a9: {  	v30 =	vld [tilespmem:$0x58E0]  }
0x1aa: {  	v18 =	vadd.f32 v28, v18  }
0x1ab: {  	v31 =	vld [tilespmem:$0x5920]  }
0x1ac: {  	v18 =	vadd.f32 v29, v18  }
0x1ad: {  	v32 =	vld [tilespmem:$0x5960]  }
0x1ae: {  	v18 =	vadd.f32 v30, v18  }
0x1af: {  	v33 =	vld [tilespmem:$0x59A0]  }
0x1b0: {  	v18 =	vadd.f32 v31, v18  }
0x1b1: {  	v34 =	vld [tilespmem:$0x59E0]  }
0x1b2: {  	v18 =	vadd.f32 v32, v18  }
0x1b3: {  	v35 =	vld [tilespmem:$0x5A20]  }
0x1b4: {  	v18 =	vadd.f32 v33, v18  }
0x1b5: {  	v36 =	vld [tilespmem:$0x5A60]  }
0x1b6: {  	v18 =	vadd.f32 v34, v18  }
0x1b7: {  	v37 =	vld [tilespmem:$0x5AA0]  }
0x1b8: {  	v18 =	vadd.f32 v35, v18  }
0x1b9: {  	v38 =	vld [tilespmem:$0x5AE0]  }
0x1ba: {  	v18 =	vadd.f32 v36, v18  }
0x1bb: {  	v39 =	vld [tilespmem:$0x5B20]  }
0x1bc: {  	v18 =	vadd.f32 v37, v18  }
0x1bd: {  	v40 =	vld [tilespmem:$0x5B60]  }
0x1be: {  	v18 =	vadd.f32 v38, v18  }
0x1bf: {  	v41 =	vld [tilespmem:$0x5BA0]  }
0x1c0: {  	v18 =	vadd.f32 v39, v18  }
0x1c1: {  	v42 =	vld [tilespmem:$0x5BE0]  }
0x1c2: {  	v18 =	vadd.f32 v40, v18;
	_ =	sdelay $0x1  }
0x1c3: {  	v18 =	vadd.f32 v41, v18;
	_ =	sdelay $0x1  }
0x1c4: {  	v18 =	vadd.f32 v42, v18;
	_ =	sdelay $0x1  }
0x1c5: {  	v18 =	vmul.f32 v18, v19;
	_ =	sdelay $0x1  }
0x1c6: {  	[tilespmem:v14+s13+$0x0] =	vst.idx.msk $0xffff, v18  }
0x1c7: {  	v18 =	vld [tilespmem:$0x5C30];
	_ =	sdelay $0x1  }
0x1c8: {  	v19 =	vld [tilespmem:$0x5C70];
	_ =	sdelay $0x1  }
0x1c9: {  	v43 =	vld [tilespmem:$0x5CB0]  }
0x1ca: {  	v18 =	vadd.f32 $0.0e+00, v18  }
0x1cb: {  	v44 =	vld [tilespmem:$0x5CF0]  }
0x1cc: {  	v18 =	vadd.f32 v19, v18  }
0x1cd: {  	v19 =	vld [tilespmem:$0x5D30]  }
0x1ce: {  	v18 =	vadd.f32 v43, v18  }
0x1cf: {  	v45 =	vld [tilespmem:$0x5D70]  }
0x1d0: {  	v46 =	vld [tilespmem:$0x5030];
	v18 =	vadd.f32 v44, v18  }
0x1d1: {  	v47 =	vld [tilespmem:$0x5DB0]  }
0x1d2: {  	v18 =	vadd.f32 v19, v18;
	v19 =	vld [tilespmem:$0x5070]  }
0x1d3: {  	v48 =	vld [tilespmem:$0x5DF0]  }
0x1d4: {  	v49 =	vld [tilespmem:$0x50B0];
	v18 =	vadd.f32 v45, v18  }
0x1d5: {  	v50 =	vld [tilespmem:$0x5E30];
	v21 =	vadd.f32 $0.0e+00, v46  }
0x1d6: {  	v51 =	vld [tilespmem:$0x50F0];
	v18 =	vadd.f32 v47, v18  }
0x1d7: {  	v52 =	vld [tilespmem:$0x5E70];
	v19 =	vadd.f32 v19, v21  }
0x1d8: {  	v53 =	vld [tilespmem:$0x5130];
	v18 =	vadd.f32 v48, v18  }
0x1d9: {  	v54 =	vld [tilespmem:$0x5EB0];
	v19 =	vadd.f32 v49, v19  }
0x1da: {  	v55 =	vld [tilespmem:$0x5170];
	v18 =	vadd.f32 v50, v18  }
0x1db: {  	v56 =	vld [tilespmem:$0x5EF0];
	v19 =	vadd.f32 v51, v19  }
0x1dc: {  	v57 =	vld [tilespmem:$0x51B0];
	v18 =	vadd.f32 v52, v18  }
0x1dd: {  	v58 =	vld [tilespmem:$0x5F30];
	v19 =	vadd.f32 v53, v19  }
0x1de: {  	v59 =	vld [tilespmem:$0x51F0];
	v18 =	vadd.f32 v54, v18  }
0x1df: {  	v60 =	vld [tilespmem:$0x5F70];
	v19 =	vadd.f32 v55, v19  }
0x1e0: {  	v61 =	vld [tilespmem:$0x5230];
	v18 =	vadd.f32 v56, v18  }
0x1e1: {  	v62 =	vld [tilespmem:$0x5FB0];
	v19 =	vadd.f32 v57, v19  }
0x1e2: {  	v63 =	vld [tilespmem:$0x5270];
	v18 =	vadd.f32 v58, v18  }
0x1e3: {  	v28 =	vld [tilespmem:$0x5FF0];
	v19 =	vadd.f32 v59, v19  }
0x1e4: {  	v29 =	vld [tilespmem:$0x52B0];
	v18 =	vadd.f32 v60, v18  }
0x1e5: {  	v19 =	vadd.f32 v61, v19  }
0x1e6: {  	v30 =	vld [tilespmem:$0x52F0];
	v18 =	vadd.f32 v62, v18  }
0x1e7: {  	v19 =	vadd.f32 v63, v19  }
0x1e8: {  	v31 =	vld [tilespmem:$0x5330];
	v18 =	vadd.f32 v28, v18  }
0x1e9: {  	v19 =	vadd.f32 v29, v19  }
0x1ea: {  	v32 =	vld [tilespmem:$0x5370];
	v18 =	vmax.f32 v18, $1.000000000e+00  }
0x1eb: {  	(erf) = vrcp.f32 v18;
	v18 =	vadd.f32 v30, v19  }
0x1ec: {  	v19 =	vld [tilespmem:$0x53B0]  }
0x1ed: {  	v18 =	vadd.f32 v31, v18  }
0x1ee: {  	v33 =	vld [tilespmem:$0x53F0]  }
0x1ef: {  	v18 =	vadd.f32 v32, v18;
	_ =	sdelay $0x1  }
0x1f0: {  	v18 =	vadd.f32 v19, v18;
	_ =	sdelay $0x1  }
0x1f1: {  	v18 =	vadd.f32 v33, v18  }
0x1f2: {  	v19 =	vpop (erf)  }
0x1f3: {  	v18 =	vmul.f32 v18, v19;
	_ =	sdelay $0x1  }
0x1f4: {  	[tilespmem:v15+s13+$0x0] =	vst.idx.msk $0xffff, v18  }
0x1f5: {  	v18 =	vld [tilespmem:$0x5430];
	_ =	sdelay $0x1  }
0x1f6: {  	v34 =	vld [tilespmem:$0x5470];
	_ =	sdelay $0x1  }
0x1f7: {  	v35 =	vld [tilespmem:$0x54B0]  }
0x1f8: {  	v18 =	vadd.f32 $0.0e+00, v18  }
0x1f9: {  	v36 =	vld [tilespmem:$0x54F0]  }
0x1fa: {  	v18 =	vadd.f32 v34, v18  }
0x1fb: {  	v37 =	vld [tilespmem:$0x5530]  }
0x1fc: {  	v18 =	vadd.f32 v35, v18  }
0x1fd: {  	v38 =	vld [tilespmem:$0x5570]  }
0x1fe: {  	v18 =	vadd.f32 v36, v18  }
0x1ff: {  	v39 =	vld [tilespmem:$0x55B0]  }
0x200: {  	v18 =	vadd.f32 v37, v18  }
0x201: {  	v40 =	vld [tilespmem:$0x55F0]  }
0x202: {  	v18 =	vadd.f32 v38, v18  }
0x203: {  	v41 =	vld [tilespmem:$0x5630]  }
0x204: {  	v18 =	vadd.f32 v39, v18  }
0x205: {  	v42 =	vld [tilespmem:$0x5670]  }
0x206: {  	v18 =	vadd.f32 v40, v18  }
0x207: {  	v43 =	vld [tilespmem:$0x56B0]  }
0x208: {  	v18 =	vadd.f32 v41, v18  }
0x209: {  	v44 =	vld [tilespmem:$0x56F0]  }
0x20a: {  	v18 =	vadd.f32 v42, v18  }
0x20b: {  	v45 =	vld [tilespmem:$0x5730]  }
0x20c: {  	v18 =	vadd.f32 v43, v18  }
0x20d: {  	v46 =	vld [tilespmem:$0x5770]  }
0x20e: {  	v18 =	vadd.f32 v44, v18  }
0x20f: {  	v47 =	vld [tilespmem:$0x57B0]  }
0x210: {  	v18 =	vadd.f32 v45, v18  }
0x211: {  	v48 =	vld [tilespmem:$0x57F0]  }
0x212: {  	v18 =	vadd.f32 v46, v18;
	_ =	sdelay $0x1  }
0x213: {  	v18 =	vadd.f32 v47, v18;
	_ =	sdelay $0x1  }
0x214: {  	v18 =	vadd.f32 v48, v18;
	_ =	sdelay $0x1  }
0x215: {  	v18 =	vmul.f32 v18, v19;
	_ =	sdelay $0x1  }
0x216: {  	[tilespmem:v16+s13+$0x0] =	vst.idx.msk $0xffff, v18  }
0x217: {  	v18 =	vld [tilespmem:$0x5830];
	_ =	sdelay $0x1  }
0x218: {  	v49 =	vld [tilespmem:$0x5870];
	_ =	sdelay $0x1  }
0x219: {  	v50 =	vld [tilespmem:$0x58B0]  }
0x21a: {  	v18 =	vadd.f32 $0.0e+00, v18  }
0x21b: {  	v51 =	vld [tilespmem:$0x58F0]  }
0x21c: {  	v18 =	vadd.f32 v49, v18  }
0x21d: {  	v52 =	vld [tilespmem:$0x5930]  }
0x21e: {  	v18 =	vadd.f32 v50, v18  }
0x21f: {  	v53 =	vld [tilespmem:$0x5970]  }
0x220: {  	v18 =	vadd.f32 v51, v18  }
0x221: {  	v54 =	vld [tilespmem:$0x59B0]  }
0x222: {  	v18 =	vadd.f32 v52, v18  }
0x223: {  	v55 =	vld [tilespmem:$0x59F0]  }
0x224: {  	v18 =	vadd.f32 v53, v18  }
0x225: {  	v56 =	vld [tilespmem:$0x5A30]  }
0x226: {  	v18 =	vadd.f32 v54, v18  }
0x227: {  	v57 =	vld [tilespmem:$0x5A70]  }
0x228: {  	v18 =	vadd.f32 v55, v18  }
0x229: {  	v58 =	vld [tilespmem:$0x5AB0]  }
0x22a: {  	v18 =	vadd.f32 v56, v18  }
0x22b: {  	v59 =	vld [tilespmem:$0x5AF0]  }
0x22c: {  	v18 =	vadd.f32 v57, v18  }
0x22d: {  	v60 =	vld [tilespmem:$0x5B30]  }
0x22e: {  	v18 =	vadd.f32 v58, v18  }
0x22f: {  	v61 =	vld [tilespmem:$0x5B70]  }
0x230: {  	v18 =	vadd.f32 v59, v18  }
0x231: {  	v62 =	vld [tilespmem:$0x5BB0]  }
0x232: {  	v18 =	vadd.f32 v60, v18  }
0x233: {  	v63 =	vld [tilespmem:$0x5BF0]  }
0x234: {  	v18 =	vadd.f32 v61, v18;
	_ =	sdelay $0x1  }
0x235: {  	v18 =	vadd.f32 v62, v18;
	_ =	sdelay $0x1  }
0x236: {  	v18 =	vadd.f32 v63, v18;
	_ =	sdelay $0x1  }
0x237: {  	s14 =	sadd.s32 $0x1, s14;
	v18 =	vmul.f32 v18, v19  }
0x238: {  	p0 =	sne.s32 s14, s6  }
.Ltmp2:
0x239: {  	[tilespmem:v17+s13+$0x0] =	vst.idx.msk $0xffff, v18;
	(pc) =	sbr.rel @p0 .LBB2_1-.Ltmp2, $4  }
0x23a: {  	[hbm4b:s5+s2] =	stream.linear.scatter [tilespmem:s13], [sflag:$0x2], $0x2000, $0x38;
	[tilespmem:$0x8000] =	vst v63  }
0x23b: {  	_ =	swait.ge [sflag:s10], $0x2000  }
0x23c: {  	[sflag:s10] =	ssyncset.done $0x0  }
0x23d: {  	[sflag:s10] =	ssyncadd.s32 $0xFFFFE000  }
0x23e: {  	_ =	sfence.sel $0x180000  }
0x23f: {  	[bflag:$0x0] =	sbarrier.arrive $0xFFFF  }
0x240: {  	p0 =	sne.s32 s0, $0x0;
	_ =	strace $0x90000047  }
0x241: {  	s0 =	sadd.s32 @!p0 $0x100000, s1;
	[bflag:$0x2] =	sbarrier.arrive $0xFFFF  }
0x242: {  	[sflag:s0] =	ssyncadd.tile.s32 @!p0 $0x1;
	_ =	shalt  }
.Lfunc_end2:
_tile_overlayer_lowered:
.L_overlay_start_2:
0x243: {  	(tag) =	ssettag $0x2  }
0x244: {  	s0 =	rddreg [dreg:$0x0];
	s2 =	stileid.u32  }
0x245: {  	s1 =	rddreg [dreg:$0x1];
	p0 =	sne.s32 s2, $0x0  }
0x246: {  	s3 =	rddreg [dreg:$0x2];
	[bflag:$0x3] =	sbarrier.arrive $0xFFFF;
	s2 =	simm.s32 @!p0 $0x1C02  }
0x247: {  	[timem:s3], [sflag:s2] =	dma.local @!p0 [hbm:s0], s1  }
0x248: {  	s0 =	simm.s32 @!p0 $0x2  }
0x249: {  	_ =	swait.ge @!p0 [sflag:s0], s1  }
0x24a: {  	s1 =	ssub.s32 @!p0 $0x0, s1;
	[sflag:s0] =	ssyncset.done @!p0 $0x0  }
0x24b: {  	[sflag:s0] =	ssyncadd.s32 @!p0 s1  }
0x24c: {  	[bflag:$0x3] =	sbarrier.arrive $0xFFFF  }
0x24d: {  	_ =	shalt  }

</sc_bundles>
